<compile_context>
chip_gen: v7x
topology: tpu7x:2x2x1
jax: 0.10.2.dev20260603
libtpu: 0.0.44.dev20260713+nightly
codegen_flags: <defaults>
</compile_context>

<pallas_src>
import functools

import jax
import jax.numpy as jnp
from jax import lax
from jax.experimental import pallas as pl
from jax.experimental.pallas import tpu as pltpu
from jax.experimental.pallas import tpu_sc as plsc

NC = 2
NS = 16
NW = NC * NS
LANES = 16
CH = 128


def _zero16():
    return jnp.zeros((LANES,), jnp.float32)


def _ones16():
    return jnp.ones((LANES,), jnp.float32)


def _make_deg_kernel(NPAD, E):
    NCHT = E // CH
    NB = NCHT // NW
    R = NCHT - NB * NW
    RPT = NPAD // NS
    mesh = plsc.VectorSubcoreMesh(core_axis_name="c", subcore_axis_name="s")

    @functools.partial(
        pl.kernel,
        out_type=jax.ShapeDtypeStruct((NC, NPAD, LANES), jnp.float32),
        mesh=mesh,
        scratch_types=[
            pltpu.VMEM_SHARED((NPAD, LANES), jnp.float32),
            pltpu.VMEM((CH,), jnp.int32),
            pltpu.VMEM((CH,), jnp.int32),
            pltpu.VMEM((CH, LANES), jnp.float32),
            pltpu.VMEM((RPT, LANES), jnp.float32),
            pltpu.SemaphoreType.DMA,
            pltpu.SemaphoreType.DMA,
            pltpu.SemaphoreType.DMA,
            pltpu.SemaphoreType.DMA,
        ],
    )
    def deg_kernel(dst_hbm, out_hbm, acc_sh, idx_a, idx_b, ones_v, stage_v,
                   sem_a, sem_b, sem_c, sem_d):
        c = lax.axis_index("c")
        s = lax.axis_index("s")
        wid = s * NC + c
        start = (wid * NB + jnp.minimum(wid, R)) * CH

        @pl.loop(0, RPT)
        def _(r):
            stage_v[r] = _zero16()

        @pl.loop(0, CH)
        def _(r):
            ones_v[r] = _ones16()

        pltpu.sync_copy(stage_v, acc_sh.at[pl.ds(s * RPT, RPT)])
        plsc.subcore_barrier()

        @pl.loop(0, NB // 2)
        def _(g):
            e0 = start + (2 * g) * CH
            d_a = pltpu.async_copy(dst_hbm.at[pl.ds(e0, CH)], idx_a, sem_a)
            d_b = pltpu.async_copy(dst_hbm.at[pl.ds(e0 + CH, CH)], idx_b,
                                   sem_b)
            d_a.wait()
            e_a = pltpu.async_copy(ones_v, acc_sh.at[idx_a], sem_c, add=True)
            d_b.wait()
            e_b = pltpu.async_copy(ones_v, acc_sh.at[idx_b], sem_d, add=True)
            e_a.wait()
            e_b.wait()

        if NB % 2:
            e0 = start + (NB - 1) * CH
            pltpu.sync_copy(dst_hbm.at[pl.ds(e0, CH)], idx_a)
            pltpu.sync_copy(ones_v, acc_sh.at[idx_a], add=True)

        @pl.when(wid < R)
        def _():
            e0 = start + NB * CH
            pltpu.sync_copy(dst_hbm.at[pl.ds(e0, CH)], idx_a)
            pltpu.sync_copy(ones_v, acc_sh.at[idx_a], add=True)

        plsc.subcore_barrier()
        pltpu.sync_copy(acc_sh.at[pl.ds(s * RPT, RPT)],
                        out_hbm.at[c].at[pl.ds(s * RPT, RPT)])

    return deg_kernel


def _make_agg_kernel(NPAD, E, D):
    NCHT = E // CH
    NB = NCHT // NW
    R = NCHT - NB * NW
    RPT = NPAD // NS
    NZC = RPT // CH
    mesh = plsc.VectorSubcoreMesh(core_axis_name="c", subcore_axis_name="s")

    @functools.partial(
        pl.kernel,
        out_type=jax.ShapeDtypeStruct((NC, NPAD, D), jnp.float32),
        mesh=mesh,
        scratch_types=[
            pltpu.VMEM_SHARED((NPAD, D), jnp.float32),
            pltpu.VMEM((CH,), jnp.int32),
            pltpu.VMEM((CH,), jnp.int32),
            pltpu.VMEM((CH,), jnp.int32),
            pltpu.VMEM((CH,), jnp.int32),
            pltpu.VMEM((CH, D), jnp.float32),
            pltpu.VMEM((CH, D), jnp.float32),
            pltpu.SemaphoreType.DMA,
            pltpu.SemaphoreType.DMA,
            pltpu.SemaphoreType.DMA,
            pltpu.SemaphoreType.DMA,
            pltpu.SemaphoreType.DMA,
            pltpu.SemaphoreType.DMA,
            pltpu.SemaphoreType.DMA,
            pltpu.SemaphoreType.DMA,
        ],
    )
    def agg_kernel(src_hbm, dst_hbm, xs_hbm, out_hbm,
                   acc_sh, src_a, src_b, dst_a, dst_b,
                   rows_a, rows_b, sem_a, sem_b, sem_c, sem_d,
                   sem_e, sem_f, sem_g, sem_h):
        c = lax.axis_index("c")
        s = lax.axis_index("s")
        wid = s * NC + c
        start = (wid * NB + jnp.minimum(wid, R)) * CH

        @pl.loop(0, CH)
        def _(r):
            for k in range(D // LANES):
                rows_a[r, pl.ds(k * LANES, LANES)] = _zero16()

        for j in range(NZC):
            pltpu.sync_copy(rows_a, acc_sh.at[pl.ds(s * RPT + j * CH, CH)])
        plsc.subcore_barrier()

        @pl.loop(0, NB // 2)
        def _(g):
            b0 = start + (2 * g) * CH
            b1 = b0 + CH
            l_sa = pltpu.async_copy(src_hbm.at[pl.ds(b0, CH)], src_a, sem_e)
            l_sb = pltpu.async_copy(src_hbm.at[pl.ds(b1, CH)], src_b, sem_f)
            l_da = pltpu.async_copy(dst_hbm.at[pl.ds(b0, CH)], dst_a, sem_g)
            l_db = pltpu.async_copy(dst_hbm.at[pl.ds(b1, CH)], dst_b, sem_h)
            l_sa.wait()
            d_a = pltpu.async_copy(xs_hbm.at[src_a], rows_a, sem_a)
            l_sb.wait()
            d_b = pltpu.async_copy(xs_hbm.at[src_b], rows_b, sem_b)
            l_da.wait()
            l_db.wait()
            d_a.wait()
            e_a = pltpu.async_copy(rows_a, acc_sh.at[dst_a], sem_c, add=True)
            d_b.wait()
            e_b = pltpu.async_copy(rows_b, acc_sh.at[dst_b], sem_d, add=True)
            e_a.wait()
            e_b.wait()

        if NB % 2:
            b0 = start + (NB - 1) * CH
            pltpu.sync_copy(src_hbm.at[pl.ds(b0, CH)], src_a)
            pltpu.sync_copy(dst_hbm.at[pl.ds(b0, CH)], dst_a)
            d_a = pltpu.async_copy(xs_hbm.at[src_a], rows_a, sem_a)
            d_a.wait()
            pltpu.sync_copy(rows_a, acc_sh.at[dst_a], add=True)

        @pl.when(wid < R)
        def _():
            b0 = start + NB * CH
            pltpu.sync_copy(src_hbm.at[pl.ds(b0, CH)], src_a)
            pltpu.sync_copy(dst_hbm.at[pl.ds(b0, CH)], dst_a)
            d_a = pltpu.async_copy(xs_hbm.at[src_a], rows_a, sem_a)
            d_a.wait()
            pltpu.sync_copy(rows_a, acc_sh.at[dst_a], add=True)

        plsc.subcore_barrier()
        pltpu.sync_copy(acc_sh.at[pl.ds(s * RPT, RPT)],
                        out_hbm.at[c].at[pl.ds(s * RPT, RPT)])

    return agg_kernel


def _prep_body(dw_ref, x_ref, xs_ref, dis_ref):
    deg = dw_ref[0, :, 0:1] + dw_ref[1, :, 0:1] + 1.0
    dis = lax.rsqrt(deg)
    dis_ref[...] = dis
    xs_ref[...] = x_ref[...] * dis


def _final_body(u0_ref, u1_ref, xs_ref, dis_ref, w_ref, b_ref, pw_ref, o_ref):
    t = (u0_ref[0] + u1_ref[0] + xs_ref[...]) * dis_ref[...]
    z = jnp.dot(t, w_ref[...], preferred_element_type=jnp.float32) + b_ref[...]
    z = jnp.where(z >= 0, z, pw_ref[...] * z)
    nrm = jnp.sqrt(jnp.sum(z * z, axis=1, keepdims=True))
    o_ref[...] = z / jnp.maximum(nrm, 1e-12)


def kernel(x, edge_index, W, b, prelu_w):
    N, D = x.shape
    H = W.shape[1]
    E = edge_index.shape[1]
    src = edge_index[0].astype(jnp.int32)
    dst = edge_index[1].astype(jnp.int32)

    NPAD = -(-N // 1280) * 1280
    dw = _make_deg_kernel(NPAD, E)(dst)

    PBLK = 2000
    xs, dis = pl.pallas_call(
        _prep_body,
        grid=(N // PBLK,),
        in_specs=[
            pl.BlockSpec((NC, PBLK, LANES), lambda i: (0, i, 0)),
            pl.BlockSpec((PBLK, D), lambda i: (i, 0)),
        ],
        out_specs=[
            pl.BlockSpec((PBLK, D), lambda i: (i, 0)),
            pl.BlockSpec((PBLK, 1), lambda i: (i, 0)),
        ],
        out_shape=[
            jax.ShapeDtypeStruct((N, D), jnp.float32),
            jax.ShapeDtypeStruct((N, 1), jnp.float32),
        ],
    )(dw, x)

    u = _make_agg_kernel(NPAD, E, D)(src, dst, xs)

    BLK = 2000
    out = pl.pallas_call(
        _final_body,
        grid=(N // BLK,),
        in_specs=[
            pl.BlockSpec((1, BLK, D), lambda i: (0, i, 0)),
            pl.BlockSpec((1, BLK, D), lambda i: (1, i, 0)),
            pl.BlockSpec((BLK, D), lambda i: (i, 0)),
            pl.BlockSpec((BLK, 1), lambda i: (i, 0)),
            pl.BlockSpec((D, H), lambda i: (0, 0)),
            pl.BlockSpec((1, H), lambda i: (0, 0)),
            pl.BlockSpec((1, H), lambda i: (0, 0)),
        ],
        out_specs=pl.BlockSpec((BLK, H), lambda i: (i, 0)),
        out_shape=jax.ShapeDtypeStruct((N, H), jnp.float32),
    )(u, u, xs, dis, W, b.reshape(1, H), prelu_w.reshape(1, H))

    return out

# --- scband reference (transcript-rebuilt; emitter-appended) ---
"""Pipeline reference for scband-encoder-2714419331813 (READ-ONLY COPY).

The authoritative reference and input builder live on the scoring server;
editing this copy changes nothing except your own understanding.
"""

import jax, jax.numpy as jnp
import numpy as np

N = 10000
E = 320000
D = 128
H = 128


def setup_inputs(seed: int = 0) -> dict:
    key = jax.random.key(seed)
    k1, k2, k3 = jax.random.split(key, 3)
    x = jax.random.normal(k1, (N, D), dtype=jnp.float32)
    edge_index = jax.random.randint(k2, (2, E), 0, N, dtype=jnp.int64)
    W = jax.random.normal(k3, (D, H), dtype=jnp.float32) * 0.05
    b = jnp.zeros((H,), dtype=jnp.float32)
    prelu_w = jnp.full((H,), 0.25, dtype=jnp.float32)
    return {"x": x, "edge_index": edge_index, "W": W, "b": b, "prelu_w": prelu_w}


def reference(x, edge_index, W, b, prelu_w):
    n = x.shape[0]
    src = edge_index[0]
    dst = edge_index[1]
    # GCNConv: add self-loops
    loop = jnp.arange(n, dtype=edge_index.dtype)
    src_full = jnp.concatenate([src, loop])
    dst_full = jnp.concatenate([dst, loop])
    # linear transform (GCNConv lin has no bias; bias added after aggregation)
    h = x @ W
    # symmetric normalization D^{-1/2} (A+I) D^{-1/2}
    deg = jnp.zeros((n,), dtype=x.dtype).at[dst_full].add(1.0)
    deg_inv_sqrt = jnp.where(deg > 0, jax.lax.rsqrt(jnp.maximum(deg, 1.0)), 0.0)
    norm = deg_inv_sqrt[src_full] * deg_inv_sqrt[dst_full]
    # message: gather from src, scale, scatter-add to dst
    msg = h[src_full] * norm[:, None]
    out = jnp.zeros((n, h.shape[1]), dtype=x.dtype).at[dst_full].add(msg)
    out = out + b
    # PReLU with per-channel weight
    out = jnp.where(out >= 0, out, prelu_w * out)
    # F.normalize(out, p=2, dim=1)
    nrm = jnp.sqrt(jnp.sum(out * out, axis=1, keepdims=True))
    out = out / jnp.maximum(nrm, 1e-12)
    return out

if __name__ == "__main__":
    import jax
    _d = setup_inputs()
    print(jax.jit(kernel)(*tuple(_d.values())))

</pallas_src>

<mosaic_0001>
#map = affine_map<(d0, d1) -> (0)>
#map1 = affine_map<(d0, d1) -> (0, 0, 0)>
module attributes {stable_mosaic.version = 14 : i64} {
  func.func @deg_kernel(%arg0: i32, %arg1: i32, %arg2: memref<320000xi32, #tpu.memory_space<hbm>>, %arg3: memref<2x10240x16xf32, #tpu.memory_space<hbm>>, %arg4: memref<10240x16xf32, #tpu.memory_space<vmem_shared>>, %arg5: memref<128xi32, #tpu.memory_space<vmem>>, %arg6: memref<128xi32, #tpu.memory_space<vmem>>, %arg7: memref<128x16xf32, #tpu.memory_space<vmem>>, %arg8: memref<640x16xf32, #tpu.memory_space<vmem>>, %arg9: memref<!tpu.dma_semaphore, #tpu.memory_space<semaphore_mem>>, %arg10: memref<!tpu.dma_semaphore, #tpu.memory_space<semaphore_mem>>, %arg11: memref<!tpu.dma_semaphore, #tpu.memory_space<semaphore_mem>>, %arg12: memref<!tpu.dma_semaphore, #tpu.memory_space<semaphore_mem>>) attributes {dimension_semantics = [#tpu.dimension_semantics<core_parallel>, #tpu.dimension_semantics<subcore_parallel>], iteration_bounds = array<i64: 2, 16>, scalar_prefetch = 0 : i64, scratch_operands = 9 : i64, tpu.core_type = #tpu.core_type<sc_vector_subcore>, window_params = [{transform_indices = #map}, {transform_indices = #map1}]} {
    %mul3A = arith.constant 2 : i32
    %mul3A_0 = arith.muli %arg1, %mul3A : i32
    %add3A = arith.addi %mul3A_0, %arg0 : i32
    %mul3A_1 = arith.constant 78 : i32
    %mul3A_2 = arith.muli %add3A, %mul3A_1 : i32
    %min3A = arith.constant 4 : i32
    %min3A_3 = arith.minsi %add3A, %min3A : i32
    %add3A_4 = arith.addi %mul3A_2, %min3A_3 : i32
    %mul3A_5 = arith.constant 128 : i32
    %mul3A_6 = arith.muli %add3A_4, %mul3A_5 : i32
    %scan3A = arith.constant 0 : i32
    %scan3A_7 = arith.constant 640 : i32
    %scan3A_8 = arith.addi %scan3A, %scan3A_7 : i32
    %scan3A_9 = arith.constant 1 : i32
    scf.for %scan3A_30 = %scan3A to %scan3A_8 step %scan3A_9  : i32 {
      %mul3A_31 = arith.constant 1 : i32
      %mul3A_32 = arith.muli %scan3A_30, %mul3A_31 : i32
      %add3A_33 = arith.constant 0 : i32
      %add3A_34 = arith.addi %add3A_33, %mul3A_32 : i32
      %broadcast_in_dim3A = arith.constant 0.000000e+00 : f32
      %broadcast_in_dim3A_35 = vector.broadcast %broadcast_in_dim3A : f32 to vector<16xf32>
      %swap3A = arith.index_cast %add3A_34 : i32 to index
      %swap3A_36 = arith.constant 0 : index
      %swap3A_37 = tpu.vector_load %arg8[%swap3A, %swap3A_36] {strides = array<i32>} : memref<640x16xf32, #tpu.memory_space<vmem>>, vector<1x16xf32>,
      %swap3A_38 = vector.shape_cast %swap3A_37 : vector<1x16xf32> to vector<16xf32>
      %swap3A_39 = vector.shape_cast %broadcast_in_dim3A_35 : vector<16xf32> to vector<1x16xf32>
      tpu.vector_store %arg8[%swap3A, %swap3A_36], %swap3A_39 {strides = array<i32>} : memref<640x16xf32, #tpu.memory_space<vmem>>, vector<1x16xf32>,
    }
    %scan3A_10 = arith.constant 640 : i32
    %scan3A_11 = arith.constant 0 : i32
    %scan3A_12 = arith.constant 128 : i32
    %scan3A_13 = arith.addi %scan3A_11, %scan3A_12 : i32
    %scan3A_14 = arith.constant 1 : i32
    scf.for %scan3A_30 = %scan3A_11 to %scan3A_13 step %scan3A_14  : i32 {
      %mul3A_31 = arith.constant 1 : i32
      %mul3A_32 = arith.muli %scan3A_30, %mul3A_31 : i32
      %add3A_33 = arith.constant 0 : i32
      %add3A_34 = arith.addi %add3A_33, %mul3A_32 : i32
      %broadcast_in_dim3A = arith.constant 1.000000e+00 : f32
      %broadcast_in_dim3A_35 = vector.broadcast %broadcast_in_dim3A : f32 to vector<16xf32>
      %swap3A = arith.index_cast %add3A_34 : i32 to index
      %swap3A_36 = arith.constant 0 : index
      %swap3A_37 = tpu.vector_load %arg7[%swap3A, %swap3A_36] {strides = array<i32>} : memref<128x16xf32, #tpu.memory_space<vmem>>, vector<1x16xf32>,
      %swap3A_38 = vector.shape_cast %swap3A_37 : vector<1x16xf32> to vector<16xf32>
      %swap3A_39 = vector.shape_cast %broadcast_in_dim3A_35 : vector<16xf32> to vector<1x16xf32>
      tpu.vector_store %arg7[%swap3A, %swap3A_36], %swap3A_39 {strides = array<i32>} : memref<128x16xf32, #tpu.memory_space<vmem>>, vector<1x16xf32>,
    }
    %scan3A_15 = arith.constant 128 : i32
    %mul3A_16 = arith.constant 640 : i32
    %mul3A_17 = arith.muli %arg1, %mul3A_16 : i32
    "tpu.region"() ({
      %run_scoped3A = tpu.sem_alloc : memref<!tpu.dma_semaphore, #tpu.memory_space<semaphore_mem>>
      %dma_start3A = arith.constant 0 : i32
      %dma_start3A_30 = tpu.memref_slice %arg4[%mul3A_17, %dma_start3A] : memref<10240x16xf32, #tpu.memory_space<vmem_shared>> -> memref<640x16xf32, #tpu.memory_space<vmem_shared>>
      %dma_start3A_31 = arith.constant 0 : i32
      %dma_start3A_32 = tpu.memref_slice %arg4[%mul3A_17, %dma_start3A_31] : memref<10240x16xf32, #tpu.memory_space<vmem_shared>> -> memref<640x16xf32, #tpu.memory_space<vmem_shared>>
      tpu.enqueue_dma source(%arg8 : memref<640x16xf32, #tpu.memory_space<vmem>>) target(%dma_start3A_32 : memref<640x16xf32, #tpu.memory_space<vmem_shared>>) target_semaphore(%run_scoped3A : memref<!tpu.dma_semaphore, #tpu.memory_space<semaphore_mem>>)
      %dma_wait3A = arith.constant 0 : i32
      %dma_wait3A_33 = tpu.memref_slice %arg4[%mul3A_17, %dma_wait3A] : memref<10240x16xf32, #tpu.memory_space<vmem_shared>> -> memref<640x16xf32, #tpu.memory_space<vmem_shared>>
      %dma_wait3A_34 = arith.constant 0 : i32
      %dma_wait3A_35 = tpu.memref_slice %arg4[%mul3A_17, %dma_wait3A_34] : memref<10240x16xf32, #tpu.memory_space<vmem_shared>> -> memref<640x16xf32, #tpu.memory_space<vmem_shared>>
      tpu.wait_dma2 semaphore(%run_scoped3A : memref<!tpu.dma_semaphore, #tpu.memory_space<semaphore_mem>>) src(%arg8 : memref<640x16xf32, #tpu.memory_space<vmem>>) dst(%dma_wait3A_35 : memref<640x16xf32, #tpu.memory_space<vmem_shared>>)
      tpu.yield
    }) : () -> ()
    %barrier3A = arith.constant 0 : index
    tpu.barrier barrier_id(%barrier3A)
    %scan3A_18 = arith.constant 0 : i32
    %scan3A_19 = arith.constant 39 : i32
    %scan3A_20 = arith.addi %scan3A_18, %scan3A_19 : i32
    %scan3A_21 = arith.constant 1 : i32
    scf.for %scan3A_30 = %scan3A_18 to %scan3A_20 step %scan3A_21  : i32 {
      %mul3A_31 = arith.constant 1 : i32
      %mul3A_32 = arith.muli %scan3A_30, %mul3A_31 : i32
      %add3A_33 = arith.constant 0 : i32
      %add3A_34 = arith.addi %add3A_33, %mul3A_32 : i32
      %mul3A_35 = arith.constant 2 : i32
      %mul3A_36 = arith.muli %mul3A_35, %add3A_34 : i32
      %mul3A_37 = arith.constant 128 : i32
      %mul3A_38 = arith.muli %mul3A_36, %mul3A_37 : i32
      %add3A_39 = arith.addi %mul3A_6, %mul3A_38 : i32
      %dma_start3A = tpu.memref_slice %arg2[%add3A_39] : memref<320000xi32, #tpu.memory_space<hbm>> -> memref<128xi32, #tpu.memory_space<hbm>>
      %dma_start3A_40 = tpu.memref_slice %arg2[%add3A_39] : memref<320000xi32, #tpu.memory_space<hbm>> -> memref<128xi32, #tpu.memory_space<hbm>>
      tpu.enqueue_dma source(%dma_start3A_40 : memref<128xi32, #tpu.memory_space<hbm>>) target(%arg5 : memref<128xi32, #tpu.memory_space<vmem>>) target_semaphore(%arg9 : memref<!tpu.dma_semaphore, #tpu.memory_space<semaphore_mem>>)
      %add3A_41 = arith.constant 128 : i32
      %add3A_42 = arith.addi %add3A_39, %add3A_41 : i32
      %dma_start3A_43 = tpu.memref_slice %arg2[%add3A_42] : memref<320000xi32, #tpu.memory_space<hbm>> -> memref<128xi32, #tpu.memory_space<hbm>>
      %dma_start3A_44 = tpu.memref_slice %arg2[%add3A_42] : memref<320000xi32, #tpu.memory_space<hbm>> -> memref<128xi32, #tpu.memory_space<hbm>>
      tpu.enqueue_dma source(%dma_start3A_44 : memref<128xi32, #tpu.memory_space<hbm>>) target(%arg6 : memref<128xi32, #tpu.memory_space<vmem>>) target_semaphore(%arg10 : memref<!tpu.dma_semaphore, #tpu.memory_space<semaphore_mem>>)
      %dma_wait3A = tpu.memref_slice %arg2[%add3A_39] : memref<320000xi32, #tpu.memory_space<hbm>> -> memref<128xi32, #tpu.memory_space<hbm>>
      %dma_wait3A_45 = tpu.memref_slice %arg2[%add3A_39] : memref<320000xi32, #tpu.memory_space<hbm>> -> memref<128xi32, #tpu.memory_space<hbm>>
      tpu.wait_dma2 semaphore(%arg9 : memref<!tpu.dma_semaphore, #tpu.memory_space<semaphore_mem>>) src(%dma_wait3A_45 : memref<128xi32, #tpu.memory_space<hbm>>) dst(%arg5 : memref<128xi32, #tpu.memory_space<vmem>>)
      %dma_start3A_46 = arith.constant 0 : i32
      %dma_start3A_47 = arith.constant 0 : i32
      %dma_start3A_48 = tpu.memref_slice %arg4[%dma_start3A_46, %dma_start3A_47] : memref<10240x16xf32, #tpu.memory_space<vmem_shared>> -> memref<10240x16xf32, #tpu.memory_space<vmem_shared>>
      tpu.enqueue_indirect_dma source(%arg7 : memref<128x16xf32, #tpu.memory_space<vmem>>) target(%dma_start3A_48 : memref<10240x16xf32, #tpu.memory_space<vmem_shared>>) offsets(%arg5 : memref<128xi32, #tpu.memory_space<vmem>>) semaphore(%arg11 : memref<!tpu.dma_semaphore, #tpu.memory_space<semaphore_mem>>) {add = true}
      %dma_wait3A_49 = tpu.memref_slice %arg2[%add3A_42] : memref<320000xi32, #tpu.memory_space<hbm>> -> memref<128xi32, #tpu.memory_space<hbm>>
      %dma_wait3A_50 = tpu.memref_slice %arg2[%add3A_42] : memref<320000xi32, #tpu.memory_space<hbm>> -> memref<128xi32, #tpu.memory_space<hbm>>
      tpu.wait_dma2 semaphore(%arg10 : memref<!tpu.dma_semaphore, #tpu.memory_space<semaphore_mem>>) src(%dma_wait3A_50 : memref<128xi32, #tpu.memory_space<hbm>>) dst(%arg6 : memref<128xi32, #tpu.memory_space<vmem>>)
      %dma_start3A_51 = arith.constant 0 : i32
      %dma_start3A_52 = arith.constant 0 : i32
      %dma_start3A_53 = tpu.memref_slice %arg4[%dma_start3A_51, %dma_start3A_52] : memref<10240x16xf32, #tpu.memory_space<vmem_shared>> -> memref<10240x16xf32, #tpu.memory_space<vmem_shared>>
      tpu.enqueue_indirect_dma source(%arg7 : memref<128x16xf32, #tpu.memory_space<vmem>>) target(%dma_start3A_53 : memref<10240x16xf32, #tpu.memory_space<vmem_shared>>) offsets(%arg6 : memref<128xi32, #tpu.memory_space<vmem>>) semaphore(%arg12 : memref<!tpu.dma_semaphore, #tpu.memory_space<semaphore_mem>>) {add = true}
      %dma_wait3A_54 = arith.constant 0 : i32
      %dma_wait3A_55 = arith.constant 0 : i32
      %dma_wait3A_56 = tpu.memref_slice %arg4[%dma_wait3A_54, %dma_wait3A_55] : memref<10240x16xf32, #tpu.memory_space<vmem_shared>> -> memref<10240x16xf32, #tpu.memory_space<vmem_shared>>
      tpu.wait_indirect_dma semaphore(%arg11 : memref<!tpu.dma_semaphore, #tpu.memory_space<semaphore_mem>>) src(%arg7 : memref<128x16xf32, #tpu.memory_space<vmem>>) dst(%dma_wait3A_56 : memref<10240x16xf32, #tpu.memory_space<vmem_shared>>)
      %dma_wait3A_57 = arith.constant 0 : i32
      %dma_wait3A_58 = arith.constant 0 : i32
      %dma_wait3A_59 = tpu.memref_slice %arg4[%dma_wait3A_57, %dma_wait3A_58] : memref<10240x16xf32, #tpu.memory_space<vmem_shared>> -> memref<10240x16xf32, #tpu.memory_space<vmem_shared>>
      tpu.wait_indirect_dma semaphore(%arg12 : memref<!tpu.dma_semaphore, #tpu.memory_space<semaphore_mem>>) src(%arg7 : memref<128x16xf32, #tpu.memory_space<vmem>>) dst(%dma_wait3A_59 : memref<10240x16xf32, #tpu.memory_space<vmem_shared>>)
    }
    %scan3A_22 = arith.constant 39 : i32
    %lt3A = arith.constant 4 : i32
    %lt3A_23 = arith.cmpi slt, %add3A, %lt3A : i32
    %convert_element_type3A = arith.extui %lt3A_23 : i1 to i32
    %cond3A = arith.constant 0 : i32
    %cond3A_24 = arith.cmpi ne, %convert_element_type3A, %cond3A : i32
    scf.if %cond3A_24 {
      %add3A_30 = arith.constant 9984 : i32
      %add3A_31 = arith.addi %mul3A_6, %add3A_30 : i32
      "tpu.region"() ({
        %run_scoped3A = tpu.sem_alloc : memref<!tpu.dma_semaphore, #tpu.memory_space<semaphore_mem>>
        %dma_start3A = tpu.memref_slice %arg2[%add3A_31] : memref<320000xi32, #tpu.memory_space<hbm>> -> memref<128xi32, #tpu.memory_space<hbm>>
        %dma_start3A_32 = tpu.memref_slice %arg2[%add3A_31] : memref<320000xi32, #tpu.memory_space<hbm>> -> memref<128xi32, #tpu.memory_space<hbm>>
        tpu.enqueue_dma source(%dma_start3A_32 : memref<128xi32, #tpu.memory_space<hbm>>) target(%arg5 : memref<128xi32, #tpu.memory_space<vmem>>) target_semaphore(%run_scoped3A : memref<!tpu.dma_semaphore, #tpu.memory_space<semaphore_mem>>)
        %dma_wait3A = tpu.memref_slice %arg2[%add3A_31] : memref<320000xi32, #tpu.memory_space<hbm>> -> memref<128xi32, #tpu.memory_space<hbm>>
        %dma_wait3A_33 = tpu.memref_slice %arg2[%add3A_31] : memref<320000xi32, #tpu.memory_space<hbm>> -> memref<128xi32, #tpu.memory_space<hbm>>
        tpu.wait_dma2 semaphore(%run_scoped3A : memref<!tpu.dma_semaphore, #tpu.memory_space<semaphore_mem>>) src(%dma_wait3A_33 : memref<128xi32, #tpu.memory_space<hbm>>) dst(%arg5 : memref<128xi32, #tpu.memory_space<vmem>>)
        tpu.yield
      }) : () -> ()
      "tpu.region"() ({
        %run_scoped3A = tpu.sem_alloc : memref<!tpu.dma_semaphore, #tpu.memory_space<semaphore_mem>>
        %dma_start3A = arith.constant 0 : i32
        %dma_start3A_32 = arith.constant 0 : i32
        %dma_start3A_33 = tpu.memref_slice %arg4[%dma_start3A, %dma_start3A_32] : memref<10240x16xf32, #tpu.memory_space<vmem_shared>> -> memref<10240x16xf32, #tpu.memory_space<vmem_shared>>
        tpu.enqueue_indirect_dma source(%arg7 : memref<128x16xf32, #tpu.memory_space<vmem>>) target(%dma_start3A_33 : memref<10240x16xf32, #tpu.memory_space<vmem_shared>>) offsets(%arg5 : memref<128xi32, #tpu.memory_space<vmem>>) semaphore(%run_scoped3A : memref<!tpu.dma_semaphore, #tpu.memory_space<semaphore_mem>>) {add = true}
        %dma_wait3A = arith.constant 0 : i32
        %dma_wait3A_34 = arith.constant 0 : i32
        %dma_wait3A_35 = tpu.memref_slice %arg4[%dma_wait3A, %dma_wait3A_34] : memref<10240x16xf32, #tpu.memory_space<vmem_shared>> -> memref<10240x16xf32, #tpu.memory_space<vmem_shared>>
        tpu.wait_indirect_dma semaphore(%run_scoped3A : memref<!tpu.dma_semaphore, #tpu.memory_space<semaphore_mem>>) src(%arg7 : memref<128x16xf32, #tpu.memory_space<vmem>>) dst(%dma_wait3A_35 : memref<10240x16xf32, #tpu.memory_space<vmem_shared>>)
        tpu.yield
      }) : () -> ()
    } else {
    }
    %barrier3A_25 = arith.constant 0 : index
    tpu.barrier barrier_id(%barrier3A_25)
    %mul3A_26 = arith.constant 640 : i32
    %mul3A_27 = arith.muli %arg1, %mul3A_26 : i32
    %mul3A_28 = arith.constant 640 : i32
    %mul3A_29 = arith.muli %arg1, %mul3A_28 : i32
    "tpu.region"() ({
      %run_scoped3A = tpu.sem_alloc : memref<!tpu.dma_semaphore, #tpu.memory_space<semaphore_mem>>
      %dma_start3A = arith.constant 0 : i32
      %dma_start3A_30 = arith.constant 0 : i32
      %dma_start3A_31 = tpu.memref_slice %arg3[%arg0, %dma_start3A, %dma_start3A_30] : memref<2x10240x16xf32, #tpu.memory_space<hbm>> -> memref<1x10240x16xf32, #tpu.memory_space<hbm>>
      %dma_start3A_32 = tpu.memref_squeeze %dma_start3A_31 : memref<1x10240x16xf32, #tpu.memory_space<hbm>> -> memref<10240x16xf32, #tpu.memory_space<hbm>>
      %dma_start3A_33 = arith.constant 0 : i32
      %dma_start3A_34 = tpu.memref_slice %dma_start3A_32[%mul3A_29, %dma_start3A_33] : memref<10240x16xf32, #tpu.memory_space<hbm>> -> memref<640x16xf32, #tpu.memory_space<hbm>>
      %dma_start3A_35 = arith.constant 0 : i32
      %dma_start3A_36 = tpu.memref_slice %arg4[%mul3A_27, %dma_start3A_35] : memref<10240x16xf32, #tpu.memory_space<vmem_shared>> -> memref<640x16xf32, #tpu.memory_space<vmem_shared>>
      tpu.enqueue_dma source(%dma_start3A_36 : memref<640x16xf32, #tpu.memory_space<vmem_shared>>) target(%dma_start3A_34 : memref<640x16xf32, #tpu.memory_space<hbm>>) target_semaphore(%run_scoped3A : memref<!tpu.dma_semaphore, #tpu.memory_space<semaphore_mem>>)
      %dma_wait3A = arith.constant 0 : i32
      %dma_wait3A_37 = arith.constant 0 : i32
      %dma_wait3A_38 = tpu.memref_slice %arg3[%arg0, %dma_wait3A, %dma_wait3A_37] : memref<2x10240x16xf32, #tpu.memory_space<hbm>> -> memref<1x10240x16xf32, #tpu.memory_space<hbm>>
      %dma_wait3A_39 = tpu.memref_squeeze %dma_wait3A_38 : memref<1x10240x16xf32, #tpu.memory_space<hbm>> -> memref<10240x16xf32, #tpu.memory_space<hbm>>
      %dma_wait3A_40 = arith.constant 0 : i32
      %dma_wait3A_41 = tpu.memref_slice %dma_wait3A_39[%mul3A_29, %dma_wait3A_40] : memref<10240x16xf32, #tpu.memory_space<hbm>> -> memref<640x16xf32, #tpu.memory_space<hbm>>
      %dma_wait3A_42 = arith.constant 0 : i32
      %dma_wait3A_43 = tpu.memref_slice %arg4[%mul3A_27, %dma_wait3A_42] : memref<10240x16xf32, #tpu.memory_space<vmem_shared>> -> memref<640x16xf32, #tpu.memory_space<vmem_shared>>
      tpu.wait_dma2 semaphore(%run_scoped3A : memref<!tpu.dma_semaphore, #tpu.memory_space<semaphore_mem>>) src(%dma_wait3A_43 : memref<640x16xf32, #tpu.memory_space<vmem_shared>>) dst(%dma_wait3A_41 : memref<640x16xf32, #tpu.memory_space<hbm>>)
      tpu.yield
    }) : () -> ()
    return
  }
}

#map = affine_map<(d0, d1) -> (0)>
#map1 = affine_map<(d0, d1) -> (0, 0)>
#map2 = affine_map<(d0, d1) -> (0, 0, 0)>
module attributes {stable_mosaic.version = 14 : i64} {
  func.func @agg_kernel(%arg0: i32, %arg1: i32, %arg2: memref<320000xi32, #tpu.memory_space<hbm>>, %arg3: memref<320000xi32, #tpu.memory_space<hbm>>, %arg4: memref<10000x128xf32, #tpu.memory_space<hbm>>, %arg5: memref<2x10240x128xf32, #tpu.memory_space<hbm>>, %arg6: memref<10240x128xf32, #tpu.memory_space<vmem_shared>>, %arg7: memref<128xi32, #tpu.memory_space<vmem>>, %arg8: memref<128xi32, #tpu.memory_space<vmem>>, %arg9: memref<128xi32, #tpu.memory_space<vmem>>, %arg10: memref<128xi32, #tpu.memory_space<vmem>>, %arg11: memref<128x128xf32, #tpu.memory_space<vmem>>, %arg12: memref<128x128xf32, #tpu.memory_space<vmem>>, %arg13: memref<!tpu.dma_semaphore, #tpu.memory_space<semaphore_mem>>, %arg14: memref<!tpu.dma_semaphore, #tpu.memory_space<semaphore_mem>>, %arg15: memref<!tpu.dma_semaphore, #tpu.memory_space<semaphore_mem>>, %arg16: memref<!tpu.dma_semaphore, #tpu.memory_space<semaphore_mem>>, %arg17: memref<!tpu.dma_semaphore, #tpu.memory_space<semaphore_mem>>, %arg18: memref<!tpu.dma_semaphore, #tpu.memory_space<semaphore_mem>>, %arg19: memref<!tpu.dma_semaphore, #tpu.memory_space<semaphore_mem>>, %arg20: memref<!tpu.dma_semaphore, #tpu.memory_space<semaphore_mem>>) attributes {dimension_semantics = [#tpu.dimension_semantics<core_parallel>, #tpu.dimension_semantics<subcore_parallel>], iteration_bounds = array<i64: 2, 16>, scalar_prefetch = 0 : i64, scratch_operands = 15 : i64, tpu.core_type = #tpu.core_type<sc_vector_subcore>, window_params = [{transform_indices = #map}, {transform_indices = #map}, {transform_indices = #map1}, {transform_indices = #map2}]} {
    %mul3A = arith.constant 2 : i32
    %mul3A_0 = arith.muli %arg1, %mul3A : i32
    %add3A = arith.addi %mul3A_0, %arg0 : i32
    %mul3A_1 = arith.constant 78 : i32
    %mul3A_2 = arith.muli %add3A, %mul3A_1 : i32
    %min3A = arith.constant 4 : i32
    %min3A_3 = arith.minsi %add3A, %min3A : i32
    %add3A_4 = arith.addi %mul3A_2, %min3A_3 : i32
    %mul3A_5 = arith.constant 128 : i32
    %mul3A_6 = arith.muli %add3A_4, %mul3A_5 : i32
    %scan3A = arith.constant 0 : i32
    %scan3A_7 = arith.constant 128 : i32
    %scan3A_8 = arith.addi %scan3A, %scan3A_7 : i32
    %scan3A_9 = arith.constant 1 : i32
    scf.for %scan3A_43 = %scan3A to %scan3A_8 step %scan3A_9  : i32 {
      %mul3A_44 = arith.constant 1 : i32
      %mul3A_45 = arith.muli %scan3A_43, %mul3A_44 : i32
      %add3A_46 = arith.constant 0 : i32
      %add3A_47 = arith.addi %add3A_46, %mul3A_45 : i32
      %broadcast_in_dim3A = arith.constant 0.000000e+00 : f32
      %broadcast_in_dim3A_48 = vector.broadcast %broadcast_in_dim3A : f32 to vector<16xf32>
      %swap3A = arith.index_cast %add3A_47 : i32 to index
      %swap3A_49 = arith.constant 0 : index
      %swap3A_50 = tpu.vector_load %arg11[%swap3A, %swap3A_49] {strides = array<i32>} : memref<128x128xf32, #tpu.memory_space<vmem>>, vector<1x16xf32>,
      %swap3A_51 = vector.shape_cast %swap3A_50 : vector<1x16xf32> to vector<16xf32>
      %swap3A_52 = vector.shape_cast %broadcast_in_dim3A_48 : vector<16xf32> to vector<1x16xf32>
      tpu.vector_store %arg11[%swap3A, %swap3A_49], %swap3A_52 {strides = array<i32>} : memref<128x128xf32, #tpu.memory_space<vmem>>, vector<1x16xf32>,
      %broadcast_in_dim3A_53 = arith.constant 0.000000e+00 : f32
      %broadcast_in_dim3A_54 = vector.broadcast %broadcast_in_dim3A_53 : f32 to vector<16xf32>
      %swap3A_55 = arith.index_cast %add3A_47 : i32 to index
      %swap3A_56 = arith.constant 16 : index
      %swap3A_57 = tpu.vector_load %arg11[%swap3A_55, %swap3A_56] {strides = array<i32>} : memref<128x128xf32, #tpu.memory_space<vmem>>, vector<1x16xf32>,
      %swap3A_58 = vector.shape_cast %swap3A_57 : vector<1x16xf32> to vector<16xf32>
      %swap3A_59 = vector.shape_cast %broadcast_in_dim3A_54 : vector<16xf32> to vector<1x16xf32>
      tpu.vector_store %arg11[%swap3A_55, %swap3A_56], %swap3A_59 {strides = array<i32>} : memref<128x128xf32, #tpu.memory_space<vmem>>, vector<1x16xf32>,
      %broadcast_in_dim3A_60 = arith.constant 0.000000e+00 : f32
      %broadcast_in_dim3A_61 = vector.broadcast %broadcast_in_dim3A_60 : f32 to vector<16xf32>
      %swap3A_62 = arith.index_cast %add3A_47 : i32 to index
      %swap3A_63 = arith.constant 32 : index
      %swap3A_64 = tpu.vector_load %arg11[%swap3A_62, %swap3A_63] {strides = array<i32>} : memref<128x128xf32, #tpu.memory_space<vmem>>, vector<1x16xf32>,
      %swap3A_65 = vector.shape_cast %swap3A_64 : vector<1x16xf32> to vector<16xf32>
      %swap3A_66 = vector.shape_cast %broadcast_in_dim3A_61 : vector<16xf32> to vector<1x16xf32>
      tpu.vector_store %arg11[%swap3A_62, %swap3A_63], %swap3A_66 {strides = array<i32>} : memref<128x128xf32, #tpu.memory_space<vmem>>, vector<1x16xf32>,
      %broadcast_in_dim3A_67 = arith.constant 0.000000e+00 : f32
      %broadcast_in_dim3A_68 = vector.broadcast %broadcast_in_dim3A_67 : f32 to vector<16xf32>
      %swap3A_69 = arith.index_cast %add3A_47 : i32 to index
      %swap3A_70 = arith.constant 48 : index
      %swap3A_71 = tpu.vector_load %arg11[%swap3A_69, %swap3A_70] {strides = array<i32>} : memref<128x128xf32, #tpu.memory_space<vmem>>, vector<1x16xf32>,
      %swap3A_72 = vector.shape_cast %swap3A_71 : vector<1x16xf32> to vector<16xf32>
      %swap3A_73 = vector.shape_cast %broadcast_in_dim3A_68 : vector<16xf32> to vector<1x16xf32>
      tpu.vector_store %arg11[%swap3A_69, %swap3A_70], %swap3A_73 {strides = array<i32>} : memref<128x128xf32, #tpu.memory_space<vmem>>, vector<1x16xf32>,
      %broadcast_in_dim3A_74 = arith.constant 0.000000e+00 : f32
      %broadcast_in_dim3A_75 = vector.broadcast %broadcast_in_dim3A_74 : f32 to vector<16xf32>
      %swap3A_76 = arith.index_cast %add3A_47 : i32 to index
      %swap3A_77 = arith.constant 64 : index
      %swap3A_78 = tpu.vector_load %arg11[%swap3A_76, %swap3A_77] {strides = array<i32>} : memref<128x128xf32, #tpu.memory_space<vmem>>, vector<1x16xf32>,
      %swap3A_79 = vector.shape_cast %swap3A_78 : vector<1x16xf32> to vector<16xf32>
      %swap3A_80 = vector.shape_cast %broadcast_in_dim3A_75 : vector<16xf32> to vector<1x16xf32>
      tpu.vector_store %arg11[%swap3A_76, %swap3A_77], %swap3A_80 {strides = array<i32>} : memref<128x128xf32, #tpu.memory_space<vmem>>, vector<1x16xf32>,
      %broadcast_in_dim3A_81 = arith.constant 0.000000e+00 : f32
      %broadcast_in_dim3A_82 = vector.broadcast %broadcast_in_dim3A_81 : f32 to vector<16xf32>
      %swap3A_83 = arith.index_cast %add3A_47 : i32 to index
      %swap3A_84 = arith.constant 80 : index
      %swap3A_85 = tpu.vector_load %arg11[%swap3A_83, %swap3A_84] {strides = array<i32>} : memref<128x128xf32, #tpu.memory_space<vmem>>, vector<1x16xf32>,
      %swap3A_86 = vector.shape_cast %swap3A_85 : vector<1x16xf32> to vector<16xf32>
      %swap3A_87 = vector.shape_cast %broadcast_in_dim3A_82 : vector<16xf32> to vector<1x16xf32>
      tpu.vector_store %arg11[%swap3A_83, %swap3A_84], %swap3A_87 {strides = array<i32>} : memref<128x128xf32, #tpu.memory_space<vmem>>, vector<1x16xf32>,
      %broadcast_in_dim3A_88 = arith.constant 0.000000e+00 : f32
      %broadcast_in_dim3A_89 = vector.broadcast %broadcast_in_dim3A_88 : f32 to vector<16xf32>
      %swap3A_90 = arith.index_cast %add3A_47 : i32 to index
      %swap3A_91 = arith.constant 96 : index
      %swap3A_92 = tpu.vector_load %arg11[%swap3A_90, %swap3A_91] {strides = array<i32>} : memref<128x128xf32, #tpu.memory_space<vmem>>, vector<1x16xf32>,
      %swap3A_93 = vector.shape_cast %swap3A_92 : vector<1x16xf32> to vector<16xf32>
      %swap3A_94 = vector.shape_cast %broadcast_in_dim3A_89 : vector<16xf32> to vector<1x16xf32>
      tpu.vector_store %arg11[%swap3A_90, %swap3A_91], %swap3A_94 {strides = array<i32>} : memref<128x128xf32, #tpu.memory_space<vmem>>, vector<1x16xf32>,
      %broadcast_in_dim3A_95 = arith.constant 0.000000e+00 : f32
      %broadcast_in_dim3A_96 = vector.broadcast %broadcast_in_dim3A_95 : f32 to vector<16xf32>
      %swap3A_97 = arith.index_cast %add3A_47 : i32 to index
      %swap3A_98 = arith.constant 112 : index
      %swap3A_99 = tpu.vector_load %arg11[%swap3A_97, %swap3A_98] {strides = array<i32>} : memref<128x128xf32, #tpu.memory_space<vmem>>, vector<1x16xf32>,
      %swap3A_100 = vector.shape_cast %swap3A_99 : vector<1x16xf32> to vector<16xf32>
      %swap3A_101 = vector.shape_cast %broadcast_in_dim3A_96 : vector<16xf32> to vector<1x16xf32>
      tpu.vector_store %arg11[%swap3A_97, %swap3A_98], %swap3A_101 {strides = array<i32>} : memref<128x128xf32, #tpu.memory_space<vmem>>, vector<1x16xf32>,
    }
    %scan3A_10 = arith.constant 128 : i32
    %mul3A_11 = arith.constant 640 : i32
    %mul3A_12 = arith.muli %arg1, %mul3A_11 : i32
    %add3A_13 = arith.constant 0 : i32
    %add3A_14 = arith.addi %mul3A_12, %add3A_13 : i32
    "tpu.region"() ({
      %run_scoped3A = tpu.sem_alloc : memref<!tpu.dma_semaphore, #tpu.memory_space<semaphore_mem>>
      %dma_start3A = arith.constant 0 : i32
      %dma_start3A_43 = tpu.memref_slice %arg6[%add3A_14, %dma_start3A] : memref<10240x128xf32, #tpu.memory_space<vmem_shared>> -> memref<128x128xf32, #tpu.memory_space<vmem_shared>>
      %dma_start3A_44 = arith.constant 0 : i32
      %dma_start3A_45 = tpu.memref_slice %arg6[%add3A_14, %dma_start3A_44] : memref<10240x128xf32, #tpu.memory_space<vmem_shared>> -> memref<128x128xf32, #tpu.memory_space<vmem_shared>>
      tpu.enqueue_dma source(%arg11 : memref<128x128xf32, #tpu.memory_space<vmem>>) target(%dma_start3A_45 : memref<128x128xf32, #tpu.memory_space<vmem_shared>>) target_semaphore(%run_scoped3A : memref<!tpu.dma_semaphore, #tpu.memory_space<semaphore_mem>>)
      %dma_wait3A = arith.constant 0 : i32
      %dma_wait3A_46 = tpu.memref_slice %arg6[%add3A_14, %dma_wait3A] : memref<10240x128xf32, #tpu.memory_space<vmem_shared>> -> memref<128x128xf32, #tpu.memory_space<vmem_shared>>
      %dma_wait3A_47 = arith.constant 0 : i32
      %dma_wait3A_48 = tpu.memref_slice %arg6[%add3A_14, %dma_wait3A_47] : memref<10240x128xf32, #tpu.memory_space<vmem_shared>> -> memref<128x128xf32, #tpu.memory_space<vmem_shared>>
      tpu.wait_dma2 semaphore(%run_scoped3A : memref<!tpu.dma_semaphore, #tpu.memory_space<semaphore_mem>>) src(%arg11 : memref<128x128xf32, #tpu.memory_space<vmem>>) dst(%dma_wait3A_48 : memref<128x128xf32, #tpu.memory_space<vmem_shared>>)
      tpu.yield
    }) : () -> ()
    %mul3A_15 = arith.constant 640 : i32
    %mul3A_16 = arith.muli %arg1, %mul3A_15 : i32
    %add3A_17 = arith.constant 128 : i32
    %add3A_18 = arith.addi %mul3A_16, %add3A_17 : i32
    "tpu.region"() ({
      %run_scoped3A = tpu.sem_alloc : memref<!tpu.dma_semaphore, #tpu.memory_space<semaphore_mem>>
      %dma_start3A = arith.constant 0 : i32
      %dma_start3A_43 = tpu.memref_slice %arg6[%add3A_18, %dma_start3A] : memref<10240x128xf32, #tpu.memory_space<vmem_shared>> -> memref<128x128xf32, #tpu.memory_space<vmem_shared>>
      %dma_start3A_44 = arith.constant 0 : i32
      %dma_start3A_45 = tpu.memref_slice %arg6[%add3A_18, %dma_start3A_44] : memref<10240x128xf32, #tpu.memory_space<vmem_shared>> -> memref<128x128xf32, #tpu.memory_space<vmem_shared>>
      tpu.enqueue_dma source(%arg11 : memref<128x128xf32, #tpu.memory_space<vmem>>) target(%dma_start3A_45 : memref<128x128xf32, #tpu.memory_space<vmem_shared>>) target_semaphore(%run_scoped3A : memref<!tpu.dma_semaphore, #tpu.memory_space<semaphore_mem>>)
      %dma_wait3A = arith.constant 0 : i32
      %dma_wait3A_46 = tpu.memref_slice %arg6[%add3A_18, %dma_wait3A] : memref<10240x128xf32, #tpu.memory_space<vmem_shared>> -> memref<128x128xf32, #tpu.memory_space<vmem_shared>>
      %dma_wait3A_47 = arith.constant 0 : i32
      %dma_wait3A_48 = tpu.memref_slice %arg6[%add3A_18, %dma_wait3A_47] : memref<10240x128xf32, #tpu.memory_space<vmem_shared>> -> memref<128x128xf32, #tpu.memory_space<vmem_shared>>
      tpu.wait_dma2 semaphore(%run_scoped3A : memref<!tpu.dma_semaphore, #tpu.memory_space<semaphore_mem>>) src(%arg11 : memref<128x128xf32, #tpu.memory_space<vmem>>) dst(%dma_wait3A_48 : memref<128x128xf32, #tpu.memory_space<vmem_shared>>)
      tpu.yield
    }) : () -> ()
    %mul3A_19 = arith.constant 640 : i32
    %mul3A_20 = arith.muli %arg1, %mul3A_19 : i32
    %add3A_21 = arith.constant 256 : i32
    %add3A_22 = arith.addi %mul3A_20, %add3A_21 : i32
    "tpu.region"() ({
      %run_scoped3A = tpu.sem_alloc : memref<!tpu.dma_semaphore, #tpu.memory_space<semaphore_mem>>
      %dma_start3A = arith.constant 0 : i32
      %dma_start3A_43 = tpu.memref_slice %arg6[%add3A_22, %dma_start3A] : memref<10240x128xf32, #tpu.memory_space<vmem_shared>> -> memref<128x128xf32, #tpu.memory_space<vmem_shared>>
      %dma_start3A_44 = arith.constant 0 : i32
      %dma_start3A_45 = tpu.memref_slice %arg6[%add3A_22, %dma_start3A_44] : memref<10240x128xf32, #tpu.memory_space<vmem_shared>> -> memref<128x128xf32, #tpu.memory_space<vmem_shared>>
      tpu.enqueue_dma source(%arg11 : memref<128x128xf32, #tpu.memory_space<vmem>>) target(%dma_start3A_45 : memref<128x128xf32, #tpu.memory_space<vmem_shared>>) target_semaphore(%run_scoped3A : memref<!tpu.dma_semaphore, #tpu.memory_space<semaphore_mem>>)
      %dma_wait3A = arith.constant 0 : i32
      %dma_wait3A_46 = tpu.memref_slice %arg6[%add3A_22, %dma_wait3A] : memref<10240x128xf32, #tpu.memory_space<vmem_shared>> -> memref<128x128xf32, #tpu.memory_space<vmem_shared>>
      %dma_wait3A_47 = arith.constant 0 : i32
      %dma_wait3A_48 = tpu.memref_slice %arg6[%add3A_22, %dma_wait3A_47] : memref<10240x128xf32, #tpu.memory_space<vmem_shared>> -> memref<128x128xf32, #tpu.memory_space<vmem_shared>>
      tpu.wait_dma2 semaphore(%run_scoped3A : memref<!tpu.dma_semaphore, #tpu.memory_space<semaphore_mem>>) src(%arg11 : memref<128x128xf32, #tpu.memory_space<vmem>>) dst(%dma_wait3A_48 : memref<128x128xf32, #tpu.memory_space<vmem_shared>>)
      tpu.yield
    }) : () -> ()
    %mul3A_23 = arith.constant 640 : i32
    %mul3A_24 = arith.muli %arg1, %mul3A_23 : i32
    %add3A_25 = arith.constant 384 : i32
    %add3A_26 = arith.addi %mul3A_24, %add3A_25 : i32
    "tpu.region"() ({
      %run_scoped3A = tpu.sem_alloc : memref<!tpu.dma_semaphore, #tpu.memory_space<semaphore_mem>>
      %dma_start3A = arith.constant 0 : i32
      %dma_start3A_43 = tpu.memref_slice %arg6[%add3A_26, %dma_start3A] : memref<10240x128xf32, #tpu.memory_space<vmem_shared>> -> memref<128x128xf32, #tpu.memory_space<vmem_shared>>
      %dma_start3A_44 = arith.constant 0 : i32
      %dma_start3A_45 = tpu.memref_slice %arg6[%add3A_26, %dma_start3A_44] : memref<10240x128xf32, #tpu.memory_space<vmem_shared>> -> memref<128x128xf32, #tpu.memory_space<vmem_shared>>
      tpu.enqueue_dma source(%arg11 : memref<128x128xf32, #tpu.memory_space<vmem>>) target(%dma_start3A_45 : memref<128x128xf32, #tpu.memory_space<vmem_shared>>) target_semaphore(%run_scoped3A : memref<!tpu.dma_semaphore, #tpu.memory_space<semaphore_mem>>)
      %dma_wait3A = arith.constant 0 : i32
      %dma_wait3A_46 = tpu.memref_slice %arg6[%add3A_26, %dma_wait3A] : memref<10240x128xf32, #tpu.memory_space<vmem_shared>> -> memref<128x128xf32, #tpu.memory_space<vmem_shared>>
      %dma_wait3A_47 = arith.constant 0 : i32
      %dma_wait3A_48 = tpu.memref_slice %arg6[%add3A_26, %dma_wait3A_47] : memref<10240x128xf32, #tpu.memory_space<vmem_shared>> -> memref<128x128xf32, #tpu.memory_space<vmem_shared>>
      tpu.wait_dma2 semaphore(%run_scoped3A : memref<!tpu.dma_semaphore, #tpu.memory_space<semaphore_mem>>) src(%arg11 : memref<128x128xf32, #tpu.memory_space<vmem>>) dst(%dma_wait3A_48 : memref<128x128xf32, #tpu.memory_space<vmem_shared>>)
      tpu.yield
    }) : () -> ()
    %mul3A_27 = arith.constant 640 : i32
    %mul3A_28 = arith.muli %arg1, %mul3A_27 : i32
    %add3A_29 = arith.constant 512 : i32
    %add3A_30 = arith.addi %mul3A_28, %add3A_29 : i32
    "tpu.region"() ({
      %run_scoped3A = tpu.sem_alloc : memref<!tpu.dma_semaphore, #tpu.memory_space<semaphore_mem>>
      %dma_start3A = arith.constant 0 : i32
      %dma_start3A_43 = tpu.memref_slice %arg6[%add3A_30, %dma_start3A] : memref<10240x128xf32, #tpu.memory_space<vmem_shared>> -> memref<128x128xf32, #tpu.memory_space<vmem_shared>>
      %dma_start3A_44 = arith.constant 0 : i32
      %dma_start3A_45 = tpu.memref_slice %arg6[%add3A_30, %dma_start3A_44] : memref<10240x128xf32, #tpu.memory_space<vmem_shared>> -> memref<128x128xf32, #tpu.memory_space<vmem_shared>>
      tpu.enqueue_dma source(%arg11 : memref<128x128xf32, #tpu.memory_space<vmem>>) target(%dma_start3A_45 : memref<128x128xf32, #tpu.memory_space<vmem_shared>>) target_semaphore(%run_scoped3A : memref<!tpu.dma_semaphore, #tpu.memory_space<semaphore_mem>>)
      %dma_wait3A = arith.constant 0 : i32
      %dma_wait3A_46 = tpu.memref_slice %arg6[%add3A_30, %dma_wait3A] : memref<10240x128xf32, #tpu.memory_space<vmem_shared>> -> memref<128x128xf32, #tpu.memory_space<vmem_shared>>
      %dma_wait3A_47 = arith.constant 0 : i32
      %dma_wait3A_48 = tpu.memref_slice %arg6[%add3A_30, %dma_wait3A_47] : memref<10240x128xf32, #tpu.memory_space<vmem_shared>> -> memref<128x128xf32, #tpu.memory_space<vmem_shared>>
      tpu.wait_dma2 semaphore(%run_scoped3A : memref<!tpu.dma_semaphore, #tpu.memory_space<semaphore_mem>>) src(%arg11 : memref<128x128xf32, #tpu.memory_space<vmem>>) dst(%dma_wait3A_48 : memref<128x128xf32, #tpu.memory_space<vmem_shared>>)
      tpu.yield
    }) : () -> ()
    %barrier3A = arith.constant 0 : index
    tpu.barrier barrier_id(%barrier3A)
    %scan3A_31 = arith.constant 0 : i32
    %scan3A_32 = arith.constant 39 : i32
    %scan3A_33 = arith.addi %scan3A_31, %scan3A_32 : i32
    %scan3A_34 = arith.constant 1 : i32
    scf.for %scan3A_43 = %scan3A_31 to %scan3A_33 step %scan3A_34  : i32 {
      %mul3A_44 = arith.constant 1 : i32
      %mul3A_45 = arith.muli %scan3A_43, %mul3A_44 : i32
      %add3A_46 = arith.constant 0 : i32
      %add3A_47 = arith.addi %add3A_46, %mul3A_45 : i32
      %mul3A_48 = arith.constant 2 : i32
      %mul3A_49 = arith.muli %mul3A_48, %add3A_47 : i32
      %mul3A_50 = arith.constant 128 : i32
      %mul3A_51 = arith.muli %mul3A_49, %mul3A_50 : i32
      %add3A_52 = arith.addi %mul3A_6, %mul3A_51 : i32
      %add3A_53 = arith.constant 128 : i32
      %add3A_54 = arith.addi %add3A_52, %add3A_53 : i32
      %dma_start3A = tpu.memref_slice %arg2[%add3A_52] : memref<320000xi32, #tpu.memory_space<hbm>> -> memref<128xi32, #tpu.memory_space<hbm>>
      %dma_start3A_55 = tpu.memref_slice %arg2[%add3A_52] : memref<320000xi32, #tpu.memory_space<hbm>> -> memref<128xi32, #tpu.memory_space<hbm>>
      tpu.enqueue_dma source(%dma_start3A_55 : memref<128xi32, #tpu.memory_space<hbm>>) target(%arg7 : memref<128xi32, #tpu.memory_space<vmem>>) target_semaphore(%arg17 : memref<!tpu.dma_semaphore, #tpu.memory_space<semaphore_mem>>)
      %dma_start3A_56 = tpu.memref_slice %arg2[%add3A_54] : memref<320000xi32, #tpu.memory_space<hbm>> -> memref<128xi32, #tpu.memory_space<hbm>>
      %dma_start3A_57 = tpu.memref_slice %arg2[%add3A_54] : memref<320000xi32, #tpu.memory_space<hbm>> -> memref<128xi32, #tpu.memory_space<hbm>>
      tpu.enqueue_dma source(%dma_start3A_57 : memref<128xi32, #tpu.memory_space<hbm>>) target(%arg8 : memref<128xi32, #tpu.memory_space<vmem>>) target_semaphore(%arg18 : memref<!tpu.dma_semaphore, #tpu.memory_space<semaphore_mem>>)
      %dma_start3A_58 = tpu.memref_slice %arg3[%add3A_52] : memref<320000xi32, #tpu.memory_space<hbm>> -> memref<128xi32, #tpu.memory_space<hbm>>
      %dma_start3A_59 = tpu.memref_slice %arg3[%add3A_52] : memref<320000xi32, #tpu.memory_space<hbm>> -> memref<128xi32, #tpu.memory_space<hbm>>
      tpu.enqueue_dma source(%dma_start3A_59 : memref<128xi32, #tpu.memory_space<hbm>>) target(%arg9 : memref<128xi32, #tpu.memory_space<vmem>>) target_semaphore(%arg19 : memref<!tpu.dma_semaphore, #tpu.memory_space<semaphore_mem>>)
      %dma_start3A_60 = tpu.memref_slice %arg3[%add3A_54] : memref<320000xi32, #tpu.memory_space<hbm>> -> memref<128xi32, #tpu.memory_space<hbm>>
      %dma_start3A_61 = tpu.memref_slice %arg3[%add3A_54] : memref<320000xi32, #tpu.memory_space<hbm>> -> memref<128xi32, #tpu.memory_space<hbm>>
      tpu.enqueue_dma source(%dma_start3A_61 : memref<128xi32, #tpu.memory_space<hbm>>) target(%arg10 : memref<128xi32, #tpu.memory_space<vmem>>) target_semaphore(%arg20 : memref<!tpu.dma_semaphore, #tpu.memory_space<semaphore_mem>>)
      %dma_wait3A = tpu.memref_slice %arg2[%add3A_52] : memref<320000xi32, #tpu.memory_space<hbm>> -> memref<128xi32, #tpu.memory_space<hbm>>
      %dma_wait3A_62 = tpu.memref_slice %arg2[%add3A_52] : memref<320000xi32, #tpu.memory_space<hbm>> -> memref<128xi32, #tpu.memory_space<hbm>>
      tpu.wait_dma2 semaphore(%arg17 : memref<!tpu.dma_semaphore, #tpu.memory_space<semaphore_mem>>) src(%dma_wait3A_62 : memref<128xi32, #tpu.memory_space<hbm>>) dst(%arg7 : memref<128xi32, #tpu.memory_space<vmem>>)
      %dma_start3A_63 = arith.constant 0 : i32
      %dma_start3A_64 = arith.constant 0 : i32
      %dma_start3A_65 = tpu.memref_slice %arg4[%dma_start3A_63, %dma_start3A_64] : memref<10000x128xf32, #tpu.memory_space<hbm>> -> memref<10000x128xf32, #tpu.memory_space<hbm>>
      tpu.enqueue_indirect_dma source(%dma_start3A_65 : memref<10000x128xf32, #tpu.memory_space<hbm>>) target(%arg11 : memref<128x128xf32, #tpu.memory_space<vmem>>) offsets(%arg7 : memref<128xi32, #tpu.memory_space<vmem>>) semaphore(%arg13 : memref<!tpu.dma_semaphore, #tpu.memory_space<semaphore_mem>>)
      %dma_wait3A_66 = tpu.memref_slice %arg2[%add3A_54] : memref<320000xi32, #tpu.memory_space<hbm>> -> memref<128xi32, #tpu.memory_space<hbm>>
      %dma_wait3A_67 = tpu.memref_slice %arg2[%add3A_54] : memref<320000xi32, #tpu.memory_space<hbm>> -> memref<128xi32, #tpu.memory_space<hbm>>
      tpu.wait_dma2 semaphore(%arg18 : memref<!tpu.dma_semaphore, #tpu.memory_space<semaphore_mem>>) src(%dma_wait3A_67 : memref<128xi32, #tpu.memory_space<hbm>>) dst(%arg8 : memref<128xi32, #tpu.memory_space<vmem>>)
      %dma_start3A_68 = arith.constant 0 : i32
      %dma_start3A_69 = arith.constant 0 : i32
      %dma_start3A_70 = tpu.memref_slice %arg4[%dma_start3A_68, %dma_start3A_69] : memref<10000x128xf32, #tpu.memory_space<hbm>> -> memref<10000x128xf32, #tpu.memory_space<hbm>>
      tpu.enqueue_indirect_dma source(%dma_start3A_70 : memref<10000x128xf32, #tpu.memory_space<hbm>>) target(%arg12 : memref<128x128xf32, #tpu.memory_space<vmem>>) offsets(%arg8 : memref<128xi32, #tpu.memory_space<vmem>>) semaphore(%arg14 : memref<!tpu.dma_semaphore, #tpu.memory_space<semaphore_mem>>)
      %dma_wait3A_71 = tpu.memref_slice %arg3[%add3A_52] : memref<320000xi32, #tpu.memory_space<hbm>> -> memref<128xi32, #tpu.memory_space<hbm>>
      %dma_wait3A_72 = tpu.memref_slice %arg3[%add3A_52] : memref<320000xi32, #tpu.memory_space<hbm>> -> memref<128xi32, #tpu.memory_space<hbm>>
      tpu.wait_dma2 semaphore(%arg19 : memref<!tpu.dma_semaphore, #tpu.memory_space<semaphore_mem>>) src(%dma_wait3A_72 : memref<128xi32, #tpu.memory_space<hbm>>) dst(%arg9 : memref<128xi32, #tpu.memory_space<vmem>>)
      %dma_wait3A_73 = tpu.memref_slice %arg3[%add3A_54] : memref<320000xi32, #tpu.memory_space<hbm>> -> memref<128xi32, #tpu.memory_space<hbm>>
      %dma_wait3A_74 = tpu.memref_slice %arg3[%add3A_54] : memref<320000xi32, #tpu.memory_space<hbm>> -> memref<128xi32, #tpu.memory_space<hbm>>
      tpu.wait_dma2 semaphore(%arg20 : memref<!tpu.dma_semaphore, #tpu.memory_space<semaphore_mem>>) src(%dma_wait3A_74 : memref<128xi32, #tpu.memory_space<hbm>>) dst(%arg10 : memref<128xi32, #tpu.memory_space<vmem>>)
      %dma_wait3A_75 = arith.constant 0 : i32
      %dma_wait3A_76 = arith.constant 0 : i32
      %dma_wait3A_77 = tpu.memref_slice %arg4[%dma_wait3A_75, %dma_wait3A_76] : memref<10000x128xf32, #tpu.memory_space<hbm>> -> memref<10000x128xf32, #tpu.memory_space<hbm>>
      tpu.wait_indirect_dma semaphore(%arg13 : memref<!tpu.dma_semaphore, #tpu.memory_space<semaphore_mem>>) src(%dma_wait3A_77 : memref<10000x128xf32, #tpu.memory_space<hbm>>) dst(%arg11 : memref<128x128xf32, #tpu.memory_space<vmem>>)
      %dma_start3A_78 = arith.constant 0 : i32
      %dma_start3A_79 = arith.constant 0 : i32
      %dma_start3A_80 = tpu.memref_slice %arg6[%dma_start3A_78, %dma_start3A_79] : memref<10240x128xf32, #tpu.memory_space<vmem_shared>> -> memref<10240x128xf32, #tpu.memory_space<vmem_shared>>
      tpu.enqueue_indirect_dma source(%arg11 : memref<128x128xf32, #tpu.memory_space<vmem>>) target(%dma_start3A_80 : memref<10240x128xf32, #tpu.memory_space<vmem_shared>>) offsets(%arg9 : memref<128xi32, #tpu.memory_space<vmem>>) semaphore(%arg15 : memref<!tpu.dma_semaphore, #tpu.memory_space<semaphore_mem>>) {add = true}
      %dma_wait3A_81 = arith.constant 0 : i32
      %dma_wait3A_82 = arith.constant 0 : i32
      %dma_wait3A_83 = tpu.memref_slice %arg4[%dma_wait3A_81, %dma_wait3A_82] : memref<10000x128xf32, #tpu.memory_space<hbm>> -> memref<10000x128xf32, #tpu.memory_space<hbm>>
      tpu.wait_indirect_dma semaphore(%arg14 : memref<!tpu.dma_semaphore, #tpu.memory_space<semaphore_mem>>) src(%dma_wait3A_83 : memref<10000x128xf32, #tpu.memory_space<hbm>>) dst(%arg12 : memref<128x128xf32, #tpu.memory_space<vmem>>)
      %dma_start3A_84 = arith.constant 0 : i32
      %dma_start3A_85 = arith.constant 0 : i32
      %dma_start3A_86 = tpu.memref_slice %arg6[%dma_start3A_84, %dma_start3A_85] : memref<10240x128xf32, #tpu.memory_space<vmem_shared>> -> memref<10240x128xf32, #tpu.memory_space<vmem_shared>>
      tpu.enqueue_indirect_dma source(%arg12 : memref<128x128xf32, #tpu.memory_space<vmem>>) target(%dma_start3A_86 : memref<10240x128xf32, #tpu.memory_space<vmem_shared>>) offsets(%arg10 : memref<128xi32, #tpu.memory_space<vmem>>) semaphore(%arg16 : memref<!tpu.dma_semaphore, #tpu.memory_space<semaphore_mem>>) {add = true}
      %dma_wait3A_87 = arith.constant 0 : i32
      %dma_wait3A_88 = arith.constant 0 : i32
      %dma_wait3A_89 = tpu.memref_slice %arg6[%dma_wait3A_87, %dma_wait3A_88] : memref<10240x128xf32, #tpu.memory_space<vmem_shared>> -> memref<10240x128xf32, #tpu.memory_space<vmem_shared>>
      tpu.wait_indirect_dma semaphore(%arg15 : memref<!tpu.dma_semaphore, #tpu.memory_space<semaphore_mem>>) src(%arg11 : memref<128x128xf32, #tpu.memory_space<vmem>>) dst(%dma_wait3A_89 : memref<10240x128xf32, #tpu.memory_space<vmem_shared>>)
      %dma_wait3A_90 = arith.constant 0 : i32
      %dma_wait3A_91 = arith.constant 0 : i32
      %dma_wait3A_92 = tpu.memref_slice %arg6[%dma_wait3A_90, %dma_wait3A_91] : memref<10240x128xf32, #tpu.memory_space<vmem_shared>> -> memref<10240x128xf32, #tpu.memory_space<vmem_shared>>
      tpu.wait_indirect_dma semaphore(%arg16 : memref<!tpu.dma_semaphore, #tpu.memory_space<semaphore_mem>>) src(%arg12 : memref<128x128xf32, #tpu.memory_space<vmem>>) dst(%dma_wait3A_92 : memref<10240x128xf32, #tpu.memory_space<vmem_shared>>)
    }
    %scan3A_35 = arith.constant 39 : i32
    %lt3A = arith.constant 4 : i32
    %lt3A_36 = arith.cmpi slt, %add3A, %lt3A : i32
    %convert_element_type3A = arith.extui %lt3A_36 : i1 to i32
    %cond3A = arith.constant 0 : i32
    %cond3A_37 = arith.cmpi ne, %convert_element_type3A, %cond3A : i32
    scf.if %cond3A_37 {
      %add3A_43 = arith.constant 9984 : i32
      %add3A_44 = arith.addi %mul3A_6, %add3A_43 : i32
      "tpu.region"() ({
        %run_scoped3A = tpu.sem_alloc : memref<!tpu.dma_semaphore, #tpu.memory_space<semaphore_mem>>
        %dma_start3A_49 = tpu.memref_slice %arg2[%add3A_44] : memref<320000xi32, #tpu.memory_space<hbm>> -> memref<128xi32, #tpu.memory_space<hbm>>
        %dma_start3A_50 = tpu.memref_slice %arg2[%add3A_44] : memref<320000xi32, #tpu.memory_space<hbm>> -> memref<128xi32, #tpu.memory_space<hbm>>
        tpu.enqueue_dma source(%dma_start3A_50 : memref<128xi32, #tpu.memory_space<hbm>>) target(%arg7 : memref<128xi32, #tpu.memory_space<vmem>>) target_semaphore(%run_scoped3A : memref<!tpu.dma_semaphore, #tpu.memory_space<semaphore_mem>>)
        %dma_wait3A_51 = tpu.memref_slice %arg2[%add3A_44] : memref<320000xi32, #tpu.memory_space<hbm>> -> memref<128xi32, #tpu.memory_space<hbm>>
        %dma_wait3A_52 = tpu.memref_slice %arg2[%add3A_44] : memref<320000xi32, #tpu.memory_space<hbm>> -> memref<128xi32, #tpu.memory_space<hbm>>
        tpu.wait_dma2 semaphore(%run_scoped3A : memref<!tpu.dma_semaphore, #tpu.memory_space<semaphore_mem>>) src(%dma_wait3A_52 : memref<128xi32, #tpu.memory_space<hbm>>) dst(%arg7 : memref<128xi32, #tpu.memory_space<vmem>>)
        tpu.yield
      }) : () -> ()
      "tpu.region"() ({
        %run_scoped3A = tpu.sem_alloc : memref<!tpu.dma_semaphore, #tpu.memory_space<semaphore_mem>>
        %dma_start3A_49 = tpu.memref_slice %arg3[%add3A_44] : memref<320000xi32, #tpu.memory_space<hbm>> -> memref<128xi32, #tpu.memory_space<hbm>>
        %dma_start3A_50 = tpu.memref_slice %arg3[%add3A_44] : memref<320000xi32, #tpu.memory_space<hbm>> -> memref<128xi32, #tpu.memory_space<hbm>>
        tpu.enqueue_dma source(%dma_start3A_50 : memref<128xi32, #tpu.memory_space<hbm>>) target(%arg9 : memref<128xi32, #tpu.memory_space<vmem>>) target_semaphore(%run_scoped3A : memref<!tpu.dma_semaphore, #tpu.memory_space<semaphore_mem>>)
        %dma_wait3A_51 = tpu.memref_slice %arg3[%add3A_44] : memref<320000xi32, #tpu.memory_space<hbm>> -> memref<128xi32, #tpu.memory_space<hbm>>
        %dma_wait3A_52 = tpu.memref_slice %arg3[%add3A_44] : memref<320000xi32, #tpu.memory_space<hbm>> -> memref<128xi32, #tpu.memory_space<hbm>>
        tpu.wait_dma2 semaphore(%run_scoped3A : memref<!tpu.dma_semaphore, #tpu.memory_space<semaphore_mem>>) src(%dma_wait3A_52 : memref<128xi32, #tpu.memory_space<hbm>>) dst(%arg9 : memref<128xi32, #tpu.memory_space<vmem>>)
        tpu.yield
      }) : () -> ()
      %dma_start3A = arith.constant 0 : i32
      %dma_start3A_45 = arith.constant 0 : i32
      %dma_start3A_46 = tpu.memref_slice %arg4[%dma_start3A, %dma_start3A_45] : memref<10000x128xf32, #tpu.memory_space<hbm>> -> memref<10000x128xf32, #tpu.memory_space<hbm>>
      tpu.enqueue_indirect_dma source(%dma_start3A_46 : memref<10000x128xf32, #tpu.memory_space<hbm>>) target(%arg11 : memref<128x128xf32, #tpu.memory_space<vmem>>) offsets(%arg7 : memref<128xi32, #tpu.memory_space<vmem>>) semaphore(%arg13 : memref<!tpu.dma_semaphore, #tpu.memory_space<semaphore_mem>>)
      %dma_wait3A = arith.constant 0 : i32
      %dma_wait3A_47 = arith.constant 0 : i32
      %dma_wait3A_48 = tpu.memref_slice %arg4[%dma_wait3A, %dma_wait3A_47] : memref<10000x128xf32, #tpu.memory_space<hbm>> -> memref<10000x128xf32, #tpu.memory_space<hbm>>
      tpu.wait_indirect_dma semaphore(%arg13 : memref<!tpu.dma_semaphore, #tpu.memory_space<semaphore_mem>>) src(%dma_wait3A_48 : memref<10000x128xf32, #tpu.memory_space<hbm>>) dst(%arg11 : memref<128x128xf32, #tpu.memory_space<vmem>>)
      "tpu.region"() ({
        %run_scoped3A = tpu.sem_alloc : memref<!tpu.dma_semaphore, #tpu.memory_space<semaphore_mem>>
        %dma_start3A_49 = arith.constant 0 : i32
        %dma_start3A_50 = arith.constant 0 : i32
        %dma_start3A_51 = tpu.memref_slice %arg6[%dma_start3A_49, %dma_start3A_50] : memref<10240x128xf32, #tpu.memory_space<vmem_shared>> -> memref<10240x128xf32, #tpu.memory_space<vmem_shared>>
        tpu.enqueue_indirect_dma source(%arg11 : memref<128x128xf32, #tpu.memory_space<vmem>>) target(%dma_start3A_51 : memref<10240x128xf32, #tpu.memory_space<vmem_shared>>) offsets(%arg9 : memref<128xi32, #tpu.memory_space<vmem>>) semaphore(%run_scoped3A : memref<!tpu.dma_semaphore, #tpu.memory_space<semaphore_mem>>) {add = true}
        %dma_wait3A_52 = arith.constant 0 : i32
        %dma_wait3A_53 = arith.constant 0 : i32
        %dma_wait3A_54 = tpu.memref_slice %arg6[%dma_wait3A_52, %dma_wait3A_53] : memref<10240x128xf32, #tpu.memory_space<vmem_shared>> -> memref<10240x128xf32, #tpu.memory_space<vmem_shared>>
        tpu.wait_indirect_dma semaphore(%run_scoped3A : memref<!tpu.dma_semaphore, #tpu.memory_space<semaphore_mem>>) src(%arg11 : memref<128x128xf32, #tpu.memory_space<vmem>>) dst(%dma_wait3A_54 : memref<10240x128xf32, #tpu.memory_space<vmem_shared>>)
        tpu.yield
      }) : () -> ()
    } else {
    }
    %barrier3A_38 = arith.constant 0 : index
    tpu.barrier barrier_id(%barrier3A_38)
    %mul3A_39 = arith.constant 640 : i32
    %mul3A_40 = arith.muli %arg1, %mul3A_39 : i32
    %mul3A_41 = arith.constant 640 : i32
    %mul3A_42 = arith.muli %arg1, %mul3A_41 : i32
    "tpu.region"() ({
      %run_scoped3A = tpu.sem_alloc : memref<!tpu.dma_semaphore, #tpu.memory_space<semaphore_mem>>
      %dma_start3A = arith.constant 0 : i32
      %dma_start3A_43 = arith.constant 0 : i32
      %dma_start3A_44 = tpu.memref_slice %arg5[%arg0, %dma_start3A, %dma_start3A_43] : memref<2x10240x128xf32, #tpu.memory_space<hbm>> -> memref<1x10240x128xf32, #tpu.memory_space<hbm>>
      %dma_start3A_45 = tpu.memref_squeeze %dma_start3A_44 : memref<1x10240x128xf32, #tpu.memory_space<hbm>> -> memref<10240x128xf32, #tpu.memory_space<hbm>>
      %dma_start3A_46 = arith.constant 0 : i32
      %dma_start3A_47 = tpu.memref_slice %dma_start3A_45[%mul3A_42, %dma_start3A_46] : memref<10240x128xf32, #tpu.memory_space<hbm>> -> memref<640x128xf32, #tpu.memory_space<hbm>>
      %dma_start3A_48 = arith.constant 0 : i32
      %dma_start3A_49 = tpu.memref_slice %arg6[%mul3A_40, %dma_start3A_48] : memref<10240x128xf32, #tpu.memory_space<vmem_shared>> -> memref<640x128xf32, #tpu.memory_space<vmem_shared>>
      tpu.enqueue_dma source(%dma_start3A_49 : memref<640x128xf32, #tpu.memory_space<vmem_shared>>) target(%dma_start3A_47 : memref<640x128xf32, #tpu.memory_space<hbm>>) target_semaphore(%run_scoped3A : memref<!tpu.dma_semaphore, #tpu.memory_space<semaphore_mem>>)
      %dma_wait3A = arith.constant 0 : i32
      %dma_wait3A_50 = arith.constant 0 : i32
      %dma_wait3A_51 = tpu.memref_slice %arg5[%arg0, %dma_wait3A, %dma_wait3A_50] : memref<2x10240x128xf32, #tpu.memory_space<hbm>> -> memref<1x10240x128xf32, #tpu.memory_space<hbm>>
      %dma_wait3A_52 = tpu.memref_squeeze %dma_wait3A_51 : memref<1x10240x128xf32, #tpu.memory_space<hbm>> -> memref<10240x128xf32, #tpu.memory_space<hbm>>
      %dma_wait3A_53 = arith.constant 0 : i32
      %dma_wait3A_54 = tpu.memref_slice %dma_wait3A_52[%mul3A_42, %dma_wait3A_53] : memref<10240x128xf32, #tpu.memory_space<hbm>> -> memref<640x128xf32, #tpu.memory_space<hbm>>
      %dma_wait3A_55 = arith.constant 0 : i32
      %dma_wait3A_56 = tpu.memref_slice %arg6[%mul3A_40, %dma_wait3A_55] : memref<10240x128xf32, #tpu.memory_space<vmem_shared>> -> memref<640x128xf32, #tpu.memory_space<vmem_shared>>
      tpu.wait_dma2 semaphore(%run_scoped3A : memref<!tpu.dma_semaphore, #tpu.memory_space<semaphore_mem>>) src(%dma_wait3A_56 : memref<640x128xf32, #tpu.memory_space<vmem_shared>>) dst(%dma_wait3A_54 : memref<640x128xf32, #tpu.memory_space<hbm>>)
      tpu.yield
    }) : () -> ()
    return
  }
}

module attributes {stable_mosaic.version = 14 : i64} {
  func.func @_prep_body(%arg0: i32, %arg1: memref<2x2000x16xf32, #tpu.memory_space<vmem>>, %arg2: memref<2000x128xf32, #tpu.memory_space<vmem>>, %arg3: memref<2000x128xf32, #tpu.memory_space<vmem>>, %arg4: memref<2000x1xf32, #tpu.memory_space<vmem>>) attributes {dimension_semantics = [#tpu.dimension_semantics<arbitrary>], iteration_bounds = array<i64: 5>, scalar_prefetch = 0 : i64, scratch_operands = 0 : i64, tpu.core_type = #tpu.core_type<tc>, window_params = [{transform_indices = @transform_0, window_bounds = array<i64: 2, 2000, 16>}, {transform_indices = @transform_1, window_bounds = array<i64: 2000, 128>}, {transform_indices = @transform_2, window_bounds = array<i64: 2000, 128>}, {transform_indices = @transform_3, window_bounds = array<i64: 2000, 1>}]} {
    %get3A = arith.constant 0 : index
    %get3A_0 = arith.constant 0 : index
    %get3A_1 = arith.constant 0 : index
    %get3A_2 = vector.load %arg1[%get3A, %get3A_0, %get3A_1] : memref<2x2000x16xf32, #tpu.memory_space<vmem>>, vector<1x2000x1xf32>
    %get3A_3 = vector.shape_cast %get3A_2 : vector<1x2000x1xf32> to vector<2000x1xf32>
    %get3A_4 = arith.constant 1 : index
    %get3A_5 = arith.constant 0 : index
    %get3A_6 = arith.constant 0 : index
    %get3A_7 = vector.load %arg1[%get3A_4, %get3A_5, %get3A_6] : memref<2x2000x16xf32, #tpu.memory_space<vmem>>, vector<1x2000x1xf32>
    %get3A_8 = vector.shape_cast %get3A_7 : vector<1x2000x1xf32> to vector<2000x1xf32>
    %add3A = arith.addf %get3A_3, %get3A_8 : vector<2000x1xf32>
    %add3A_9 = arith.constant 1.000000e+00 : f32
    %add3A_10 = vector.broadcast %add3A_9 : f32 to vector<2000x1xf32>
    %add3A_11 = arith.addf %add3A, %add3A_10 : vector<2000x1xf32>
    %rsqrt3A = math.rsqrt %add3A_11 : vector<2000x1xf32>
    %swap3A = arith.constant 0 : index
    %swap3A_12 = arith.constant 0 : index
    %swap3A_13 = vector.load %arg4[%swap3A, %swap3A_12] : memref<2000x1xf32, #tpu.memory_space<vmem>>, vector<2000x1xf32>
    tpu.vector_store %arg4[%swap3A, %swap3A_12], %rsqrt3A {strides = array<i32>} : memref<2000x1xf32, #tpu.memory_space<vmem>>, vector<2000x1xf32>,
    %get3A_14 = arith.constant 0 : index
    %get3A_15 = arith.constant 0 : index
    %get3A_16 = vector.load %arg2[%get3A_14, %get3A_15] : memref<2000x128xf32, #tpu.memory_space<vmem>>, vector<2000x128xf32>
    %mul3A = vector.broadcast %rsqrt3A : vector<2000x1xf32> to vector<2000x128xf32>
    %mul3A_17 = arith.mulf %get3A_16, %mul3A : vector<2000x128xf32>
    %swap3A_18 = arith.constant 0 : index
    %swap3A_19 = arith.constant 0 : index
    %swap3A_20 = vector.load %arg3[%swap3A_18, %swap3A_19] : memref<2000x128xf32, #tpu.memory_space<vmem>>, vector<2000x128xf32>
    tpu.vector_store %arg3[%swap3A_18, %swap3A_19], %mul3A_17 {strides = array<i32>} : memref<2000x128xf32, #tpu.memory_space<vmem>>, vector<2000x128xf32>,
    return
  }
  func.func @transform_0(%arg0: i32) -> (i32, i32, i32) {
    %c0_i32 = arith.constant 0 : i32
    %c0_i32_0 = arith.constant 0 : i32
    %c0_i32_1 = arith.constant 0 : i32
    return %c0_i32, %arg0, %c0_i32_0 : i32, i32, i32
  }
  func.func @transform_1(%arg0: i32) -> (i32, i32) {
    %c0_i32 = arith.constant 0 : i32
    %c0_i32_0 = arith.constant 0 : i32
    return %arg0, %c0_i32 : i32, i32
  }
  func.func @transform_2(%arg0: i32) -> (i32, i32) {
    %c0_i32 = arith.constant 0 : i32
    %c0_i32_0 = arith.constant 0 : i32
    return %arg0, %c0_i32 : i32, i32
  }
  func.func @transform_3(%arg0: i32) -> (i32, i32) {
    %c0_i32 = arith.constant 0 : i32
    %c0_i32_0 = arith.constant 0 : i32
    return %arg0, %c0_i32 : i32, i32
  }
}

module attributes {stable_mosaic.version = 14 : i64} {
  func.func @_final_body(%arg0: i32, %arg1: memref<1x2000x128xf32, #tpu.memory_space<vmem>>, %arg2: memref<1x2000x128xf32, #tpu.memory_space<vmem>>, %arg3: memref<2000x128xf32, #tpu.memory_space<vmem>>, %arg4: memref<2000x1xf32, #tpu.memory_space<vmem>>, %arg5: memref<128x128xf32, #tpu.memory_space<vmem>>, %arg6: memref<1x128xf32, #tpu.memory_space<vmem>>, %arg7: memref<1x128xf32, #tpu.memory_space<vmem>>, %arg8: memref<2000x128xf32, #tpu.memory_space<vmem>>) attributes {dimension_semantics = [#tpu.dimension_semantics<arbitrary>], iteration_bounds = array<i64: 5>, scalar_prefetch = 0 : i64, scratch_operands = 0 : i64, tpu.core_type = #tpu.core_type<tc>, window_params = [{transform_indices = @transform_0, window_bounds = array<i64: 1, 2000, 128>}, {transform_indices = @transform_1, window_bounds = array<i64: 1, 2000, 128>}, {transform_indices = @transform_2, window_bounds = array<i64: 2000, 128>}, {transform_indices = @transform_3, window_bounds = array<i64: 2000, 1>}, {pipeline_mode = #tpu.pipeline_mode<synchronous>, transform_indices = @transform_4, window_bounds = array<i64: 128, 128>}, {pipeline_mode = #tpu.pipeline_mode<synchronous>, transform_indices = @transform_5, window_bounds = array<i64: 1, 128>}, {pipeline_mode = #tpu.pipeline_mode<synchronous>, transform_indices = @transform_6, window_bounds = array<i64: 1, 128>}, {transform_indices = @transform_7, window_bounds = array<i64: 2000, 128>}]} {
    %get3A = arith.constant 0 : index
    %get3A_0 = arith.constant 0 : index
    %get3A_1 = arith.constant 0 : index
    %get3A_2 = vector.load %arg1[%get3A, %get3A_0, %get3A_1] : memref<1x2000x128xf32, #tpu.memory_space<vmem>>, vector<1x2000x128xf32>
    %get3A_3 = vector.shape_cast %get3A_2 : vector<1x2000x128xf32> to vector<2000x128xf32>
    %get3A_4 = arith.constant 0 : index
    %get3A_5 = arith.constant 0 : index
    %get3A_6 = arith.constant 0 : index
    %get3A_7 = vector.load %arg2[%get3A_4, %get3A_5, %get3A_6] : memref<1x2000x128xf32, #tpu.memory_space<vmem>>, vector<1x2000x128xf32>
    %get3A_8 = vector.shape_cast %get3A_7 : vector<1x2000x128xf32> to vector<2000x128xf32>
    %add3A = arith.addf %get3A_3, %get3A_8 : vector<2000x128xf32>
    %get3A_9 = arith.constant 0 : index
    %get3A_10 = arith.constant 0 : index
    %get3A_11 = vector.load %arg3[%get3A_9, %get3A_10] : memref<2000x128xf32, #tpu.memory_space<vmem>>, vector<2000x128xf32>
    %add3A_12 = arith.addf %add3A, %get3A_11 : vector<2000x128xf32>
    %get3A_13 = arith.constant 0 : index
    %get3A_14 = arith.constant 0 : index
    %get3A_15 = vector.load %arg4[%get3A_13, %get3A_14] : memref<2000x1xf32, #tpu.memory_space<vmem>>, vector<2000x1xf32>
    %mul3A = vector.broadcast %get3A_15 : vector<2000x1xf32> to vector<2000x128xf32>
    %mul3A_16 = arith.mulf %add3A_12, %mul3A : vector<2000x128xf32>
    %get3A_17 = arith.constant 0 : index
    %get3A_18 = arith.constant 0 : index
    %get3A_19 = vector.load %arg5[%get3A_17, %get3A_18] : memref<128x128xf32, #tpu.memory_space<vmem>>, vector<128x128xf32>
    %dot_general3A = arith.constant dense<0.000000e+00> : vector<2000x128xf32>
    %dot_general3A_20 = tpu.matmul %mul3A_16, %get3A_19, %dot_general3A {dimension_numbers = #tpu.dot_dimension_numbers<[1], [0], [0], [1], [0, 0, 1, 1], [], []>, transpose_lhs_hint = false} : vector<2000x128xf32>, vector<128x128xf32>, vector<2000x128xf32> -> vector<2000x128xf32>
    %get3A_21 = arith.constant 0 : index
    %get3A_22 = arith.constant 0 : index
    %get3A_23 = vector.load %arg6[%get3A_21, %get3A_22] : memref<1x128xf32, #tpu.memory_space<vmem>>, vector<1x128xf32>
    %add3A_24 = vector.broadcast %get3A_23 : vector<1x128xf32> to vector<2000x128xf32>
    %add3A_25 = arith.addf %dot_general3A_20, %add3A_24 : vector<2000x128xf32>
    %ge3A = arith.constant 0.000000e+00 : f32
    %ge3A_26 = vector.broadcast %ge3A : f32 to vector<2000x128xf32>
    %ge3A_27 = arith.cmpf oge, %add3A_25, %ge3A_26 : vector<2000x128xf32>
    %get3A_28 = arith.constant 0 : index
    %get3A_29 = arith.constant 0 : index
    %get3A_30 = vector.load %arg7[%get3A_28, %get3A_29] : memref<1x128xf32, #tpu.memory_space<vmem>>, vector<1x128xf32>
    %mul3A_31 = vector.broadcast %get3A_30 : vector<1x128xf32> to vector<2000x128xf32>
    %mul3A_32 = arith.mulf %mul3A_31, %add3A_25 : vector<2000x128xf32>
    %select_n3A = arith.select %ge3A_27, %add3A_25, %mul3A_32 : vector<2000x128xi1>, vector<2000x128xf32>
    %mul3A_33 = arith.mulf %select_n3A, %select_n3A : vector<2000x128xf32>
    %reduce_sum3A = arith.constant dense<0.000000e+00> : vector<2000xf32>
    %reduce_sum3A_34 = vector.multi_reduction <add>, %mul3A_33, %reduce_sum3A [1] : vector<2000x128xf32> to vector<2000xf32>
    %broadcast_in_dim3A = vector.shape_cast %reduce_sum3A_34 : vector<2000xf32> to vector<2000x1xf32>
    %sqrt3A = math.sqrt %broadcast_in_dim3A : vector<2000x1xf32>
    %max3A = arith.constant 9.99999996E-13 : f32
    %max3A_35 = vector.broadcast %max3A : f32 to vector<2000x1xf32>
    %max3A_36 = arith.maximumf %sqrt3A, %max3A_35 : vector<2000x1xf32>
    %div3A = vector.broadcast %max3A_36 : vector<2000x1xf32> to vector<2000x128xf32>
    %div3A_37 = arith.divf %select_n3A, %div3A : vector<2000x128xf32>
    %swap3A = arith.constant 0 : index
    %swap3A_38 = arith.constant 0 : index
    %swap3A_39 = vector.load %arg8[%swap3A, %swap3A_38] : memref<2000x128xf32, #tpu.memory_space<vmem>>, vector<2000x128xf32>
    tpu.vector_store %arg8[%swap3A, %swap3A_38], %div3A_37 {strides = array<i32>} : memref<2000x128xf32, #tpu.memory_space<vmem>>, vector<2000x128xf32>,
    return
  }
  func.func @transform_0(%arg0: i32) -> (i32, i32, i32) {
    %c0_i32 = arith.constant 0 : i32
    %c0_i32_0 = arith.constant 0 : i32
    %c0_i32_1 = arith.constant 0 : i32
    return %c0_i32, %arg0, %c0_i32_0 : i32, i32, i32
  }
  func.func @transform_1(%arg0: i32) -> (i32, i32, i32) {
    %c1_i32 = arith.constant 1 : i32
    %c0_i32 = arith.constant 0 : i32
    %c0_i32_0 = arith.constant 0 : i32
    return %c1_i32, %arg0, %c0_i32 : i32, i32, i32
  }
  func.func @transform_2(%arg0: i32) -> (i32, i32) {
    %c0_i32 = arith.constant 0 : i32
    %c0_i32_0 = arith.constant 0 : i32
    return %arg0, %c0_i32 : i32, i32
  }
  func.func @transform_3(%arg0: i32) -> (i32, i32) {
    %c0_i32 = arith.constant 0 : i32
    %c0_i32_0 = arith.constant 0 : i32
    return %arg0, %c0_i32 : i32, i32
  }
  func.func @transform_4(%arg0: i32) -> (i32, i32) {
    %c0_i32 = arith.constant 0 : i32
    %c0_i32_0 = arith.constant 0 : i32
    %c0_i32_1 = arith.constant 0 : i32
    return %c0_i32, %c0_i32_0 : i32, i32
  }
  func.func @transform_5(%arg0: i32) -> (i32, i32) {
    %c0_i32 = arith.constant 0 : i32
    %c0_i32_0 = arith.constant 0 : i32
    %c0_i32_1 = arith.constant 0 : i32
    return %c0_i32, %c0_i32_0 : i32, i32
  }
  func.func @transform_6(%arg0: i32) -> (i32, i32) {
    %c0_i32 = arith.constant 0 : i32
    %c0_i32_0 = arith.constant 0 : i32
    %c0_i32_1 = arith.constant 0 : i32
    return %c0_i32, %c0_i32_0 : i32, i32
  }
  func.func @transform_7(%arg0: i32) -> (i32, i32) {
    %c0_i32 = arith.constant 0 : i32
    %c0_i32_0 = arith.constant 0 : i32
    return %arg0, %c0_i32 : i32, i32
  }
}

</mosaic_0001>

<sc_bundles>
// kernel: kernel.6.cloned.1.call-start
scs
__scs_entry_jumppad:
0x0: {  	(pc) =	sbr.rel $0x88, $3  }
0x1: {  	(tag) =	ssettag $0x0;
	lr =	simm.s32 $0x1  }
0x2: {  	[smem:$0x3F9C] =	sst lr;
	_ =	strace $0xD0000000  }
0x3: {  	_ = 	snop  }
0x4: {  	_ = 	snop  }
0x5: {  	_ = 	snop  }
0x6: {  	_ = 	snop  }
0x7: {  	_ = 	snop  }
__scs_overlays_trampoline_lowered:
0x8: {  	[smem:$0x3FAB] =	sst s0  }
0x9: {  	[smem:$0x3FAC] =	sst s1  }
0xa: {  	[smem:$0x3FAD] =	sst s2  }
0xb: {  	[smem:$0x3FAE] =	sst s3  }
0xc: {  	[smem:$0x3FAF] =	sst s4  }
0xd: {  	[smem:$0x3FB0] =	sst s5  }
0xe: {  	[smem:$0x3FB1] =	sst s6  }
0xf: {  	[smem:$0x3FB2] =	sst s7  }
0x10: {  	[smem:$0x3FB3] =	sst s8  }
0x11: {  	[smem:$0x3FB4] =	sst s9;
	s0 =	simm.s32 @!p0 $0x0  }
0x12: {  	s1 =	sld [smem:$0x3F9A];
	s0 =	simm.s32 @p0 $0x1  }
0x13: {  	[smem:$0x3FB5] =	sst s0;
	s0 =	simm.s32 @!p1 $0x0  }
0x14: {  	s2 =	sld [smem:$0x3F99];
	s0 =	simm.s32 @p1 $0x1  }
0x15: {  	[smem:$0x3FB6] =	sst s0;
	s0 =	simm.s32 @!p2 $0x0  }
0x16: {  	s3 =	sld [smem:$0x3FDB];
	s0 =	simm.s32 @p2 $0x1  }
0x17: {  	s4 =	simm.s32 $0x1BF5;
	[smem:$0x3FB8] =	sst s0  }
0x18: {  	s0 =	sld [smem:$0x3F9B];
	_ =	swait.ge [sflag:s4], $0x0  }
0x19: {  	s7 =	sld [smem:$0x3F9C]  }
0x1a: {  	s8 =	sadd.s32 $0xFFFFE003, lr  }
0x1b: {  	s9 =	sadd.s32 $0xFFFFFEF7, lr;
	s5 =	simm.s32 $0xFFFFFFFF;
	p2 =	slt.u32 s8, $0xFFFFF086  }
0x1c: {  	p1 =	slt.u32 s9, $0xF7A;
	s5 =	simm.s32 @!p2 $0x0  }
0x1d: {  	s5 =	simm.s32 @p1 $0x1;
	p0 =	seq.s32 s7, s2  }
0x1e: {  	s7 =	smul.u32 @!p0 $0xF7A, s2;
	p2 =	seq.s32 @!p0 s5, $0x0  }
0x1f: {  	s9 =	smul.u32 $0xF7A, s1;
	s8 =	simm.s32 @!p0 $0x1BF5;
	p2 =	por !p2, p0  }
0x20: {  	[sflag:s8] =	ssyncset.s32 @!p0 $0xFFFFF086;
	s6 =	sadd.s32 @!p0 s3, s7;
	s7 =	simm.s32 @!p0 $0x108  }
0x21: {  	s3 =	sadd.s32 s3, s9;
	s6 =	sadd.s32 @!p0 $0x88, s6;
	s7 =	simm.s32 @p2 $0x1082  }
0x22: {  	[simem:s7], [sflag:s8] =	dma.local @!p0 [hbm:s6], $0xF7A  }
0x23: {  	s9 =	sor.u32 $0xD0000000, s2;
	s6 =	simm.s32 $0x108;
	_ =	swait.ge @!p0 [sflag:s8], $0x0  }
0x24: {  	s3 =	sadd.s32 $0x88, s3;
	s6 =	simm.s32 @!p1 $0x1082;
	[sflag:s4] =	ssyncset.s32 $0xFFFFF086  }
0x25: {  	[simem:s6], [sflag:s4] =	dma.local [hbm:s3], $0xF7A  }
0x26: {  	[smem:$0x3F9C] =	sst s1;
	(tag) =	ssettag s2;
	_ =	strace s9  }
0x27: {  	s1 =	sld [smem:$0x3FAC]  }
0x28: {  	s2 =	sld [smem:$0x3FAD]  }
0x29: {  	s4 =	sld [smem:$0x3FAF]  }
0x2a: {  	p0 =	seq.s32 s5, $0x0;
	s5 =	sld [smem:$0x3FB0]  }
0x2b: {  	s6 =	sld [smem:$0x3FB1]  }
0x2c: {  	s7 =	sld [smem:$0x3FB2]  }
0x2d: {  	s3 =	simm.s32 $0x108;
	s8 =	sld [smem:$0x3FB3]  }
0x2e: {  	s3 =	simm.s32 @!p0 $0x1082;
	s9 =	sld [smem:$0x3FB4]  }
0x2f: {  	lr =	sadd.s32 s0, s3;
	s0 =	sld [smem:$0x3FAB]  }
0x30: {  	s3 =	sld [smem:$0x3FAE]  }
0x31: {  	[smem:$0x3FB7] =	sst s10  }
0x32: {  	s10 =	sld [smem:$0x3FB5];
	_ =	sdelay $0x3  }
0x33: {  	p0 =	seq.s32 s10, $0x1;
	s10 =	sld [smem:$0x3FB7];
	_ =	sdelay $0x3  }
0x34: {  	[smem:$0x3FB7] =	sst s10  }
0x35: {  	s10 =	sld [smem:$0x3FB6];
	_ =	sdelay $0x3  }
0x36: {  	p1 =	seq.s32 s10, $0x1;
	s10 =	sld [smem:$0x3FB7];
	_ =	sdelay $0x3  }
0x37: {  	[smem:$0x3FB7] =	sst s10  }
0x38: {  	s10 =	sld [smem:$0x3FB8]  }
0x39: {  	_ = 	snop;
	(pc) =	sbr.ind lr, $3  }
0x3a: {  	_ = 	snop  }
0x3b: {  	_ = 	snop  }
0x3c: {  	p2 =	seq.s32 s10, $0x1;
	s10 =	sld [smem:$0x3FB7]  }
0x3d: {  	_ =	shalt  }
0x3e: {  	_ =	shalt  }
0x3f: {  	_ =	shalt  }
0x40: {  	_ =	shalt  }
0x41: {  	_ =	shalt  }
0x42: {  	_ =	shalt  }
0x43: {  	_ =	shalt  }
0x44: {  	_ =	shalt  }
0x45: {  	_ =	shalt  }
0x46: {  	_ =	shalt  }
0x47: {  	_ =	shalt  }
0x48: {  	_ =	shalt  }
0x49: {  	_ =	shalt  }
0x4a: {  	_ =	shalt  }
0x4b: {  	_ =	shalt  }
0x4c: {  	_ =	shalt  }
0x4d: {  	_ =	shalt  }
0x4e: {  	_ =	shalt  }
0x4f: {  	_ =	shalt  }
0x50: {  	_ =	shalt  }
0x51: {  	_ =	shalt  }
0x52: {  	_ =	shalt  }
0x53: {  	_ =	shalt  }
0x54: {  	_ =	shalt  }
0x55: {  	_ =	shalt  }
0x56: {  	_ =	shalt  }
0x57: {  	_ =	shalt  }
0x58: {  	_ =	shalt  }
0x59: {  	_ =	shalt  }
0x5a: {  	_ =	shalt  }
0x5b: {  	_ =	shalt  }
0x5c: {  	_ =	shalt  }
0x5d: {  	_ =	shalt  }
0x5e: {  	_ =	shalt  }
0x5f: {  	_ =	shalt  }
0x60: {  	_ =	shalt  }
0x61: {  	_ =	shalt  }
0x62: {  	_ =	shalt  }
0x63: {  	_ =	shalt  }
0x64: {  	_ =	shalt  }
0x65: {  	_ =	shalt  }
0x66: {  	_ =	shalt  }
0x67: {  	_ =	shalt  }
0x68: {  	_ =	shalt  }
0x69: {  	_ =	shalt  }
0x6a: {  	_ =	shalt  }
0x6b: {  	_ =	shalt  }
0x6c: {  	_ =	shalt  }
0x6d: {  	_ =	shalt  }
0x6e: {  	_ =	shalt  }
0x6f: {  	_ =	shalt  }
0x70: {  	_ =	shalt  }
0x71: {  	_ =	shalt  }
0x72: {  	_ =	shalt  }
0x73: {  	_ =	shalt  }
0x74: {  	_ =	shalt  }
0x75: {  	_ =	shalt  }
0x76: {  	_ =	shalt  }
0x77: {  	_ =	shalt  }
0x78: {  	_ =	shalt  }
0x79: {  	_ =	shalt  }
0x7a: {  	_ =	shalt  }
0x7b: {  	_ =	shalt  }
0x7c: {  	_ =	shalt  }
0x7d: {  	_ =	shalt  }
0x7e: {  	_ =	shalt  }
0x7f: {  	_ =	shalt  }
0x80: {  	_ =	shalt  }
0x81: {  	_ =	shalt  }
0x82: {  	_ =	shalt  }
0x83: {  	_ =	shalt  }
0x84: {  	_ =	shalt  }
0x85: {  	_ =	shalt  }
0x86: {  	_ =	shalt  }
0x87: {  	_ =	shalt  }
.Lfunc_end0:
.L_simem_size_0:
called_computation_lowered:
.L_overlay_start_0:
0x88: {  	s2 =	sld [smem:$0x3FD9]  }
0x89: {  	s3 =	sld [smem:$0x3FFE];
	_ =	sdelay $0x1  }
0x8a: {  	s1 =	srdreg.scid  }
0x8b: {  	s0 =	sand.u32 $0x1, s1  }
0x8c: {  	s16 =	sshll.u32 s0, $0xA;
	s2 =	sadd.s32 s3, s2  }
0x8d: {  	s2 =	sadd.s32 s2, s16  }
0x8e: {  	[smem:$0x3FC3] =	sst s2  }
0x8f: {  	_ = 	snop  }
0x90: {  	(tm) =	ssettm $0x1  }
0x91: {  	s17 =	sld [smem:$0x3FFB];
	_ =	sdelay $0x3  }
0x92: {  	_ =	strace s17  }
0x93: {  	s2 =	sld [smem:$0x3FFC];
	_ =	sdelay $0x3  }
0x94: {  	_ =	strace s2  }
0x95: {  	s2 =	sld [smem:$0x3FFD];
	_ =	sdelay $0x3  }
0x96: {  	_ =	strace s2  }
0x97: {  	_ =	strace $0x8FFFFFFF  }
0x98: {  	s18 =	sld [smem:$0x3FDB];
	_ =	sdelay $0x1  }
0x99: {  	s19 =	simm.s32 $_scs_section_size  }
0x9a: {  	s4 =	simm.s32 $_size__tile_overlayer_lowered;
	s5 =	simm.s32 $_tile_overlayer_lowered  }
0x9b: {  	s22 =	simm.s32 $0x1BFF;
	s21 =	sshll.u32 s5, $0x1;
	s2 =	sadd.s32 s19, s18  }
0x9c: {  	s6 =	simm.s32 $0x0;
	s20 =	sshll.u32 s4, $0x1;
	s4 =	sadd.s32 s21, s2  }
0x9d: {  	[timem:s6], [sflag:s22] =	dma.local [hbm:s4], s20  }
0x9e: {  	_ =	swait.ge [sflag:s22], s20  }
0x9f: {  	s3 =	ssub.s32 $0x0, s20;
	[sflag:s22] =	ssyncset.done $0x0  }
0xa0: {  	[sflag:s22] =	ssyncadd.s32 s3;
	_ =	sdelay $0x1  }
0xa1: {  	s23 =	simm.s32 $0x1B8B  }
0xa2: {  	_ =	swait.ge [sflag:s23], $0x1  }
0xa3: {  	[sflag:s23] =	ssyncset.done $0x0  }
0xa4: {  	s25 =	simm.s32 $0x1B8E;
	s24 =	sld [smem:$0x3FFE];
	[sflag:s23] =	ssyncadd.s32 $0xFFFFFFFF  }
0xa5: {  	s26 =	simm.s32 $execute0_lowered;
	[smem:$0x3FD2] =	sst s25  }
0xa6: {  	s4 =	sshll.u32 s26, $0x1;
	_ =	strace $0x80000046;
	[dreg:$0x1] =	wrdreg $0xFFFFFFFF  }
0xa7: {  	s28 =	simm.s32 $_size_execute0_lowered;
	s2 =	sadd.s32 s2, s4;
	[dreg:$0x0] =	wrdreg $0x0  }
0xa8: {  	s4 =	sshll.u32 s28, $0x1;
	[dreg:$0x2] =	wrdreg s2  }
0xa9: {  	[dreg:$0x3] =	wrdreg s4  }
0xaa: {  	[dreg:$0x4] =	wrdreg $0xC0  }
0xab: {  	_ =	task [dreg:s6], $0x5FFFF  }
0xac: {  	[dreg:$0x1] =	wrdreg $0xFFFFFFFF  }
0xad: {  	[dreg:$0x0] =	wrdreg $0x60  }
0xae: {  	[dreg:$0x2] =	wrdreg s24  }
0xaf: {  	[dreg:$0x3] =	wrdreg $0x0  }
0xb0: {  	[dreg:$0x4] =	wrdreg $0x9  }
0xb1: {  	_ =	task.clear_ibuf [dreg:s6], $0x5FFFF;
	_ =	strace $0x90000046  }
0xb2: {  	s29 =	simm.s32 $0x9;
	_ =	strace $0x80000048  }
0xb3: {  	_ =	swait.ge [sflag:s29], $0x1  }
0xb4: {  	[sflag:s29] =	ssyncadd.s32 $0xFFFFFFFF  }
0xb5: {  	_ =	strace $0x90000048  }
0xb6: {  	_ =	sfence  }
0xb7: {  	s30 =	sld [smem:$0x0];
	_ =	sdelay $0x2  }
0xb8: {  	s31 =	sshll.u32 s1, $0xD;
	s1 =	sshrl.u32 s1, $0x2  }
0xb9: {  	s3 =	sand.u32 $0x4000, s31;
	s1 =	sadd.s32 s1, s30  }
0xba: {  	s0 =	sor.u32 s3, s0;
	s1 =	sshll.u32 s1, $0x11  }
0xbb: {  	s0 =	sor.u32 s1, s0  }
0xbc: {  	s0 =	sadd.s32 $0x8F2B, s0  }
0xbd: {  	[sflag:s0] =	ssyncadd.remote.s32 $0x1  }
0xbe: {  	_ =	sfence.sel $0xFFFF  }
0xbf: {  	[dreg:$0x0] =	wrdreg $0xFFFFFFFF;
	(pc) =	sbr.abs _section_cstart, $3  }
0xc0: {  	[dreg:$0x1] =	wrdreg $0xFFFFFFFF  }
0xc1: {  	_ =	task.clear_ibuf [dreg:s6], $0x2FFFF;
	_ =	strace $0x9FFFFFFF  }
0xc2: {  	(tm) =	ssettm $0x7FFFFFFF  }
0xc3: {  	_ =	shalt  }
tec
execute0_lowered:
.L_overlay_start_1:
0x0: {  	(tag) =	ssettag $0x1  }
0x1: {  	s4 =	rddreg [dreg:$0x0]  }
0x2: {  	s1 =	rddreg [dreg:$0x1]  }
0x3: {  	s0 =	rddreg [dreg:$0x2]  }
0x4: {  	s2 =	srdreg.scid;
	s3 =	simm.s32 $0x0;
	s13 =	simm.s32 $0x80  }
0x5: {  	s14 =	simm.s32 $0x2900;
	s15 =	simm.s32 $0x2;
	s5 =	sand.u32 $0x1, s2  }
0x6: {  	s16 =	simm.s32 $0x3;
	s2 =	stileid.u32;
	s6 =	smul.u32 $0x28000, s5  }
0x7: {  	s17 =	simm.s32 $0x4;
	[smem:$0x7FF] =	sst s3;
	s10 =	smul.u32 $0x50000, s2  }
0x8: {  	s8 =	sadd.s32 $0x1C00, s4;
	s7 =	sshll.u32 s2, $0x1;
	s12 =	smul.u32 $0x9C, s2  }
0x9: {  	_ =	strace $0x80000047;
	s9 =	ssub.s32 $0x2, s5;
	s29 =	smul.u32 $0x4E, s5  }
0xa: {  	s19 =	smul.u32 $0x2800, s2;
	p0 =	sgt.u32 s2, $0x1;
	s7 =	sor.u32 s5, s7  }
0xb: {  	s11 =	sshrl.u32 s9, $0x1;
	s6 =	sadd.s32 s6, s4;
	s28 =	smul.u32 $0x4E, s7  }
0xc: {  	s7 =	smin.u32 s7, $0x4;
	s9 =	ssub.s32 s9, s11;
	s30 =	sshrl.u32 s10, $0x2  }
0xd: {  	s10 =	simm.s32 $0x2800;
	s11 =	simm.s32 $0x2880;
	s18 =	sadd.s32 $0x15800, s6  }
0xe: {  	s6 =	smax.u32 s9, $0x1;
	s9 =	simm.s32 $0x5;
	s4 =	sadd.s32 s7, s28  }
0xf: {  	s7 =	sadd.s32 s12, s7;
	s12 =	simm.s32 $0x1;
	s18 =	sadd.s32 s19, s18  }
0x10: {  	s19 =	simm.s32 $0x0;
	s4 =	sshll.u32 s4, $0x4;
	s7 =	sadd.s32 s29, s7  }
0x11: {  	s31 =	sadd.s32 s8, s4;
	s4 =	sadd.s32 s30, s1;
	s7 =	sshll.u32 s7, $0x4  }
0x12: {  	v0 =	vimm.f32 $0.0e+00;
	v1 =	vimm.f32 $1.000000000e+00;
	s5 =	sadd.s32 $0x4E0, s31;
	s7 =	sadd.s32 s7, s8;
	s8 =	simm.s32 $0x6900  }
.LBB2_1:
0x13: {  	s20 =	simm.s32 $0x0  }
.LBB2_2:
0x14: {  	p1 =	sne.s32 s20, $0x4FE00  }
.Ltmp0:
0x15: {  	_ = 	snop;
	(pc) =	sbr.rel @p1 .LBB2_2-.Ltmp0, $3  }
0x16: {  	_ =	sdelay $0x1  }
0x17: {  	s21 =	sshra.s32 s20, $0x2  }
0x18: {  	s20 =	sadd.s32 $0x200, s20;
	[tilespmem:s21+$0x6900] =	vst v0  }
0x19: {  	s20 =	simm.s32 $0x200;
	s21 =	simm.s32 $0x0  }
.LBB2_4:
0x1a: {  	p1 =	sne.s32 s20, $0xFE00;
	[tilespmem:s21+$0x2900] =	vst v1;
	s21 =	smov.u32 s20;
	s20 =	sadd.s32 $0x200, s20  }
.Ltmp1:
0x1b: {  	(pc) =	sbr.rel @p1 .LBB2_4-.Ltmp1, $2  }
0x1c: {  	_ =	sdelay $0x2  }
0x1d: {  	s21 =	sshra.s32 s21, $0x2  }
0x1e: {  	[tilespmem:s21+$0x2900] =	vst v1  }
0x1f: {  	[spmem:s4] =	stream.linear.scatter [tilespmem:s8], [sflag:$0x5], $0x14000, $0x38;
	[tilespmem:$0x1A900] =	vst v63  }
0x20: {  	_ =	swait.ge [sflag:s9], $0x14000  }
0x21: {  	[sflag:s9] =	ssyncset.done $0x0  }
0x22: {  	[sflag:s9] =	ssyncadd.s32 $0xFFFEC000  }
0x23: {  	s20 =	sadd.s32 $0x0, s7;
	[bflag:$0x0] =	sbarrier.arrive $0xFFFF  }
0x24: {  	[tilespmem:s10], [sflag:$0x1] =	stream.linear.gather [hbm4b:s20+s3], $0x80, $0x38;
	[tilespmem:$0x1A900] =	vst v63  }
0x25: {  	s20 =	sadd.s32 $0x10, s20  }
0x26: {  	[tilespmem:s11], [sflag:$0x2] =	stream.linear.gather [hbm4b:s20+s3], $0x80, $0x38;
	[tilespmem:$0x1A900] =	vst v63  }
0x27: {  	_ =	swait.ge [sflag:s12], $0x80  }
0x28: {  	[sflag:s12] =	ssyncset.done $0x0  }
0x29: {  	[sflag:s12] =	ssyncadd.s32 $0xFFFFFF80  }
0x2a: {  	[spmem:s1] =	stream.indirect.scatter.add.f32 [tilespmem:s14], [sflag:$0x3], $0x10, s10, s13, $0xb8;
	[tilespmem:$0x1A900] =	vst v63  }
0x2b: {  	_ =	swait.ge [sflag:s15], $0x80  }
0x2c: {  	[sflag:s15] =	ssyncset.done $0x0  }
0x2d: {  	[sflag:s15] =	ssyncadd.s32 $0xFFFFFF80  }
0x2e: {  	[spmem:s1] =	stream.indirect.scatter.add.f32 [tilespmem:s14], [sflag:$0x4], $0x10, s11, s13, $0xb8;
	[tilespmem:$0x1A900] =	vst v63  }
0x2f: {  	_ =	swait.ge [sflag:s16], $0x800  }
0x30: {  	[sflag:s16] =	ssyncset.done $0x0  }
0x31: {  	[sflag:s16] =	ssyncadd.s32 $0xFFFFF800  }
0x32: {  	_ =	swait.ge [sflag:s17], $0x800  }
0x33: {  	s21 =	simm.s32 $0x40;
	s20 =	simm.s32 $0x20;
	[sflag:s17] =	ssyncset.done $0x0  }
.LBB2_6:
0x34: {  	s22 =	sadd.s32 s20, s7  }
0x35: {  	[sflag:s17] =	ssyncadd.s32 $0xFFFFF800;
	s20 =	smov.u32 s21;
	s23 =	sadd.s32 $0x20, s21  }
0x36: {  	[tilespmem:s10], [sflag:$0x1] =	stream.linear.gather [hbm4b:s22+s3], $0x80, $0x38;
	[tilespmem:$0x1A900] =	vst v63  }
0x37: {  	p1 =	sne.s32 s21, $0x4C0;
	s21 =	sadd.s32 $0x10, s22  }
0x38: {  	[tilespmem:s11], [sflag:$0x2] =	stream.linear.gather [hbm4b:s21+s3], $0x80, $0x38;
	[tilespmem:$0x1A900] =	vst v63  }
0x39: {  	_ =	swait.ge [sflag:s12], $0x80  }
0x3a: {  	[sflag:s12] =	ssyncset.done $0x0  }
0x3b: {  	[sflag:s12] =	ssyncadd.s32 $0xFFFFFF80  }
0x3c: {  	[spmem:s1] =	stream.indirect.scatter.add.f32 [tilespmem:s14], [sflag:$0x3], $0x10, s10, s13, $0xb8;
	[tilespmem:$0x1A900] =	vst v63  }
0x3d: {  	_ =	swait.ge [sflag:s15], $0x80  }
0x3e: {  	[sflag:s15] =	ssyncset.done $0x0  }
0x3f: {  	[sflag:s15] =	ssyncadd.s32 $0xFFFFFF80  }
0x40: {  	[spmem:s1] =	stream.indirect.scatter.add.f32 [tilespmem:s14], [sflag:$0x4], $0x10, s11, s13, $0xb8;
	[tilespmem:$0x1A900] =	vst v63  }
.Ltmp2:
0x41: {  	_ =	swait.ge [sflag:s16], $0x800;
	(pc) =	sbr.rel @p1 .LBB2_6-.Ltmp2, $4  }
0x42: {  	[sflag:s16] =	ssyncset.done $0x0  }
0x43: {  	[sflag:s16] =	ssyncadd.s32 $0xFFFFF800  }
0x44: {  	_ =	swait.ge [sflag:s17], $0x800  }
0x45: {  	s21 =	smov.u32 s23;
	[sflag:s17] =	ssyncset.done $0x0  }
0x46: {  	s20 =	sadd.s32 s20, s7;
	[sflag:s17] =	ssyncadd.s32 $0xFFFFF800  }
0x47: {  	[tilespmem:s10], [sflag:$0x1] =	stream.linear.gather [hbm4b:s20+s3], $0x80, $0x38;
	[tilespmem:$0x1A900] =	vst v63  }
0x48: {  	s20 =	sadd.s32 $0x10, s20  }
0x49: {  	[tilespmem:s11], [sflag:$0x2] =	stream.linear.gather [hbm4b:s20+s3], $0x80, $0x38;
	[tilespmem:$0x1A900] =	vst v63  }
0x4a: {  	_ =	swait.ge [sflag:s12], $0x80  }
0x4b: {  	[sflag:s12] =	ssyncset.done $0x0  }
0x4c: {  	[sflag:s12] =	ssyncadd.s32 $0xFFFFFF80  }
0x4d: {  	[spmem:s1] =	stream.indirect.scatter.add.f32 [tilespmem:s14], [sflag:$0x3], $0x10, s10, s13, $0xb8;
	[tilespmem:$0x1A900] =	vst v63  }
0x4e: {  	_ =	swait.ge [sflag:s15], $0x80  }
0x4f: {  	[sflag:s15] =	ssyncset.done $0x0  }
0x50: {  	[sflag:s15] =	ssyncadd.s32 $0xFFFFFF80  }
0x51: {  	[spmem:s1] =	stream.indirect.scatter.add.f32 [tilespmem:s14], [sflag:$0x4], $0x10, s11, s13, $0xb8;
	[tilespmem:$0x1A900] =	vst v63  }
0x52: {  	_ =	swait.ge [sflag:s16], $0x800  }
0x53: {  	[sflag:s16] =	ssyncset.done $0x0  }
0x54: {  	[sflag:s16] =	ssyncadd.s32 $0xFFFFF800  }
0x55: {  	_ =	swait.ge [sflag:s17], $0x800  }
0x56: {  	[sflag:s17] =	ssyncset.done $0x0  }
0x57: {  	s21 =	simm.s32 @!p0 $0x2800;
	s20 =	simm.s32 @!p0 $0x0;
	[sflag:s17] =	ssyncadd.s32 $0xFFFFF800  }
0x58: {  	[tilespmem:s21], [sflag:$0x5] =	stream.linear.gather @!p0 [hbm4b:s5+s20], $0x80, $0x38;
	[tilespmem:$0x1A900] =	vst v63  }
0x59: {  	s20 =	simm.s32 @!p0 $0x5  }
0x5a: {  	_ =	swait.ge @!p0 [sflag:s20], $0x80  }
0x5b: {  	[sflag:s20] =	ssyncset.done @!p0 $0x0  }
0x5c: {  	s22 =	simm.s32 @!p0 $0x80;
	s23 =	simm.s32 @!p0 $0x2900;
	[sflag:s20] =	ssyncadd.s32 @!p0 $0xFFFFFF80  }
0x5d: {  	[spmem:s1] =	stream.indirect.scatter.add.f32 @!p0 [tilespmem:s23], [sflag:$0x5], $0x10, s21, s22, $0xb8;
	[tilespmem:$0x1A900] =	vst v63  }
0x5e: {  	_ =	swait.ge @!p0 [sflag:s20], $0x800  }
0x5f: {  	s30 =	sshll.u32 s2, $0x6;
	s19 =	sadd.s32 $0x1, s19;
	[sflag:s20] =	ssyncset.done @!p0 $0x0  }
0x60: {  	s31 =	sshrl.u32 s4, $0x3;
	p1 =	sne.s32 s19, s6;
	[sflag:s20] =	ssyncadd.s32 @!p0 $0xFFFFF800  }
.Ltmp3:
0x61: {  	s20 =	sor.u32 $0x1C05, s30;
	[bflag:$0x0] =	sbarrier.arrive $0xFFFF;
	(pc) =	sbr.rel @p1 .LBB2_1-.Ltmp3, $4  }
0x62: {  	[hbm:s18], [sflag:s20] =	dma.local [spmem:s31], $0x2800  }
0x63: {  	_ =	swait.ge [sflag:s9], $0x2800  }
0x64: {  	[sflag:s9] =	ssyncset.done $0x0  }
0x65: {  	[sflag:s9] =	ssyncadd.s32 $0xFFFFD800  }
0x66: {  	_ =	sfence.sel $0x180000  }
0x67: {  	[bflag:$0x0] =	sbarrier.arrive $0xFFFF  }
0x68: {  	p0 =	sne.s32 s2, $0x0;
	_ =	strace $0x90000047  }
0x69: {  	s0 =	sadd.s32 @!p0 $0x100000, s0;
	[bflag:$0x2] =	sbarrier.arrive $0xFFFF  }
0x6a: {  	[sflag:s0] =	ssyncadd.tile.s32 @!p0 $0x1;
	_ =	shalt  }
.Lfunc_end2:
_tile_overlayer_lowered:
.L_overlay_start_2:
0x6b: {  	(tag) =	ssettag $0x2  }
0x6c: {  	s0 =	rddreg [dreg:$0x0];
	s2 =	stileid.u32  }
0x6d: {  	s1 =	rddreg [dreg:$0x1];
	p0 =	sne.s32 s2, $0x0  }
0x6e: {  	s3 =	rddreg [dreg:$0x2];
	[bflag:$0x3] =	sbarrier.arrive $0xFFFF;
	s2 =	simm.s32 @!p0 $0x1C05  }
0x6f: {  	[timem:s3], [sflag:s2] =	dma.local @!p0 [hbm:s0], s1  }
0x70: {  	s0 =	simm.s32 @!p0 $0x5  }
0x71: {  	_ =	swait.ge @!p0 [sflag:s0], s1  }
0x72: {  	s1 =	ssub.s32 @!p0 $0x0, s1;
	[sflag:s0] =	ssyncset.done @!p0 $0x0  }
0x73: {  	[sflag:s0] =	ssyncadd.s32 @!p0 s1  }
0x74: {  	[bflag:$0x3] =	sbarrier.arrive $0xFFFF  }
0x75: {  	_ =	shalt  }

// kernel: kernel.9.cloned.1.call-start
scs
__scs_entry_jumppad:
0x0: {  	(pc) =	sbr.rel $0x88, $3  }
0x1: {  	(tag) =	ssettag $0x0;
	lr =	simm.s32 $0x1  }
0x2: {  	[smem:$0x3F9C] =	sst lr;
	_ =	strace $0xD0000000  }
0x3: {  	_ = 	snop  }
0x4: {  	_ = 	snop  }
0x5: {  	_ = 	snop  }
0x6: {  	_ = 	snop  }
0x7: {  	_ = 	snop  }
__scs_overlays_trampoline_lowered:
0x8: {  	[smem:$0x3FAB] =	sst s0  }
0x9: {  	[smem:$0x3FAC] =	sst s1  }
0xa: {  	[smem:$0x3FAD] =	sst s2  }
0xb: {  	[smem:$0x3FAE] =	sst s3  }
0xc: {  	[smem:$0x3FAF] =	sst s4  }
0xd: {  	[smem:$0x3FB0] =	sst s5  }
0xe: {  	[smem:$0x3FB1] =	sst s6  }
0xf: {  	[smem:$0x3FB2] =	sst s7  }
0x10: {  	[smem:$0x3FB3] =	sst s8  }
0x11: {  	[smem:$0x3FB4] =	sst s9;
	s0 =	simm.s32 @!p0 $0x0  }
0x12: {  	s1 =	sld [smem:$0x3F9A];
	s0 =	simm.s32 @p0 $0x1  }
0x13: {  	[smem:$0x3FB5] =	sst s0;
	s0 =	simm.s32 @!p1 $0x0  }
0x14: {  	s2 =	sld [smem:$0x3F99];
	s0 =	simm.s32 @p1 $0x1  }
0x15: {  	[smem:$0x3FB6] =	sst s0;
	s0 =	simm.s32 @!p2 $0x0  }
0x16: {  	s3 =	sld [smem:$0x3FDB];
	s0 =	simm.s32 @p2 $0x1  }
0x17: {  	s4 =	simm.s32 $0x1BF5;
	[smem:$0x3FB8] =	sst s0  }
0x18: {  	s0 =	sld [smem:$0x3F9B];
	_ =	swait.ge [sflag:s4], $0x0  }
0x19: {  	s7 =	sld [smem:$0x3F9C]  }
0x1a: {  	s8 =	sadd.s32 $0xFFFFE003, lr  }
0x1b: {  	s9 =	sadd.s32 $0xFFFFFEF7, lr;
	s5 =	simm.s32 $0xFFFFFFFF;
	p2 =	slt.u32 s8, $0xFFFFF086  }
0x1c: {  	p1 =	slt.u32 s9, $0xF7A;
	s5 =	simm.s32 @!p2 $0x0  }
0x1d: {  	s5 =	simm.s32 @p1 $0x1;
	p0 =	seq.s32 s7, s2  }
0x1e: {  	s7 =	smul.u32 @!p0 $0xF7A, s2;
	p2 =	seq.s32 @!p0 s5, $0x0  }
0x1f: {  	s9 =	smul.u32 $0xF7A, s1;
	s8 =	simm.s32 @!p0 $0x1BF5;
	p2 =	por !p2, p0  }
0x20: {  	[sflag:s8] =	ssyncset.s32 @!p0 $0xFFFFF086;
	s6 =	sadd.s32 @!p0 s3, s7;
	s7 =	simm.s32 @!p0 $0x108  }
0x21: {  	s3 =	sadd.s32 s3, s9;
	s6 =	sadd.s32 @!p0 $0x88, s6;
	s7 =	simm.s32 @p2 $0x1082  }
0x22: {  	[simem:s7], [sflag:s8] =	dma.local @!p0 [hbm:s6], $0xF7A  }
0x23: {  	s9 =	sor.u32 $0xD0000000, s2;
	s6 =	simm.s32 $0x108;
	_ =	swait.ge @!p0 [sflag:s8], $0x0  }
0x24: {  	s3 =	sadd.s32 $0x88, s3;
	s6 =	simm.s32 @!p1 $0x1082;
	[sflag:s4] =	ssyncset.s32 $0xFFFFF086  }
0x25: {  	[simem:s6], [sflag:s4] =	dma.local [hbm:s3], $0xF7A  }
0x26: {  	[smem:$0x3F9C] =	sst s1;
	(tag) =	ssettag s2;
	_ =	strace s9  }
0x27: {  	s1 =	sld [smem:$0x3FAC]  }
0x28: {  	s2 =	sld [smem:$0x3FAD]  }
0x29: {  	s4 =	sld [smem:$0x3FAF]  }
0x2a: {  	p0 =	seq.s32 s5, $0x0;
	s5 =	sld [smem:$0x3FB0]  }
0x2b: {  	s6 =	sld [smem:$0x3FB1]  }
0x2c: {  	s7 =	sld [smem:$0x3FB2]  }
0x2d: {  	s3 =	simm.s32 $0x108;
	s8 =	sld [smem:$0x3FB3]  }
0x2e: {  	s3 =	simm.s32 @!p0 $0x1082;
	s9 =	sld [smem:$0x3FB4]  }
0x2f: {  	lr =	sadd.s32 s0, s3;
	s0 =	sld [smem:$0x3FAB]  }
0x30: {  	s3 =	sld [smem:$0x3FAE]  }
0x31: {  	[smem:$0x3FB7] =	sst s10  }
0x32: {  	s10 =	sld [smem:$0x3FB5];
	_ =	sdelay $0x3  }
0x33: {  	p0 =	seq.s32 s10, $0x1;
	s10 =	sld [smem:$0x3FB7];
	_ =	sdelay $0x3  }
0x34: {  	[smem:$0x3FB7] =	sst s10  }
0x35: {  	s10 =	sld [smem:$0x3FB6];
	_ =	sdelay $0x3  }
0x36: {  	p1 =	seq.s32 s10, $0x1;
	s10 =	sld [smem:$0x3FB7];
	_ =	sdelay $0x3  }
0x37: {  	[smem:$0x3FB7] =	sst s10  }
0x38: {  	s10 =	sld [smem:$0x3FB8]  }
0x39: {  	_ = 	snop;
	(pc) =	sbr.ind lr, $3  }
0x3a: {  	_ = 	snop  }
0x3b: {  	_ = 	snop  }
0x3c: {  	p2 =	seq.s32 s10, $0x1;
	s10 =	sld [smem:$0x3FB7]  }
0x3d: {  	_ =	shalt  }
0x3e: {  	_ =	shalt  }
0x3f: {  	_ =	shalt  }
0x40: {  	_ =	shalt  }
0x41: {  	_ =	shalt  }
0x42: {  	_ =	shalt  }
0x43: {  	_ =	shalt  }
0x44: {  	_ =	shalt  }
0x45: {  	_ =	shalt  }
0x46: {  	_ =	shalt  }
0x47: {  	_ =	shalt  }
0x48: {  	_ =	shalt  }
0x49: {  	_ =	shalt  }
0x4a: {  	_ =	shalt  }
0x4b: {  	_ =	shalt  }
0x4c: {  	_ =	shalt  }
0x4d: {  	_ =	shalt  }
0x4e: {  	_ =	shalt  }
0x4f: {  	_ =	shalt  }
0x50: {  	_ =	shalt  }
0x51: {  	_ =	shalt  }
0x52: {  	_ =	shalt  }
0x53: {  	_ =	shalt  }
0x54: {  	_ =	shalt  }
0x55: {  	_ =	shalt  }
0x56: {  	_ =	shalt  }
0x57: {  	_ =	shalt  }
0x58: {  	_ =	shalt  }
0x59: {  	_ =	shalt  }
0x5a: {  	_ =	shalt  }
0x5b: {  	_ =	shalt  }
0x5c: {  	_ =	shalt  }
0x5d: {  	_ =	shalt  }
0x5e: {  	_ =	shalt  }
0x5f: {  	_ =	shalt  }
0x60: {  	_ =	shalt  }
0x61: {  	_ =	shalt  }
0x62: {  	_ =	shalt  }
0x63: {  	_ =	shalt  }
0x64: {  	_ =	shalt  }
0x65: {  	_ =	shalt  }
0x66: {  	_ =	shalt  }
0x67: {  	_ =	shalt  }
0x68: {  	_ =	shalt  }
0x69: {  	_ =	shalt  }
0x6a: {  	_ =	shalt  }
0x6b: {  	_ =	shalt  }
0x6c: {  	_ =	shalt  }
0x6d: {  	_ =	shalt  }
0x6e: {  	_ =	shalt  }
0x6f: {  	_ =	shalt  }
0x70: {  	_ =	shalt  }
0x71: {  	_ =	shalt  }
0x72: {  	_ =	shalt  }
0x73: {  	_ =	shalt  }
0x74: {  	_ =	shalt  }
0x75: {  	_ =	shalt  }
0x76: {  	_ =	shalt  }
0x77: {  	_ =	shalt  }
0x78: {  	_ =	shalt  }
0x79: {  	_ =	shalt  }
0x7a: {  	_ =	shalt  }
0x7b: {  	_ =	shalt  }
0x7c: {  	_ =	shalt  }
0x7d: {  	_ =	shalt  }
0x7e: {  	_ =	shalt  }
0x7f: {  	_ =	shalt  }
0x80: {  	_ =	shalt  }
0x81: {  	_ =	shalt  }
0x82: {  	_ =	shalt  }
0x83: {  	_ =	shalt  }
0x84: {  	_ =	shalt  }
0x85: {  	_ =	shalt  }
0x86: {  	_ =	shalt  }
0x87: {  	_ =	shalt  }
.Lfunc_end0:
.L_simem_size_0:
called_computation.1_lowered:
.L_overlay_start_0:
0x88: {  	s2 =	sld [smem:$0x3FD9]  }
0x89: {  	s3 =	sld [smem:$0x3FFE];
	_ =	sdelay $0x1  }
0x8a: {  	s1 =	srdreg.scid  }
0x8b: {  	s0 =	sand.u32 $0x1, s1  }
0x8c: {  	s17 =	sshll.u32 s0, $0xA;
	s2 =	sadd.s32 s3, s2  }
0x8d: {  	s2 =	sadd.s32 s2, s17  }
0x8e: {  	[smem:$0x3FC3] =	sst s2  }
0x8f: {  	_ = 	snop  }
0x90: {  	s2 =	sld [smem:$0x3FD0];
	(tm) =	ssettm $0x1  }
0x91: {  	s18 =	sld [smem:$0x3FFB];
	_ =	sdelay $0x3  }
0x92: {  	_ =	strace s18  }
0x93: {  	s3 =	sld [smem:$0x3FFC];
	_ =	sdelay $0x3  }
0x94: {  	_ =	strace s3  }
0x95: {  	s3 =	sld [smem:$0x3FFD];
	_ =	sdelay $0x3  }
0x96: {  	_ =	strace s3  }
0x97: {  	_ =	strace $0x8FFFFFFF  }
0x98: {  	s19 =	sld [smem:$0x3FDB];
	_ =	sdelay $0x1  }
0x99: {  	s4 =	simm.s32 $_scs_section_size  }
0x9a: {  	s5 =	simm.s32 $_size__tile_overlayer_lowered;
	s6 =	simm.s32 $_tile_overlayer_lowered  }
0x9b: {  	s22 =	simm.s32 $0x1BFF;
	s21 =	sshll.u32 s6, $0x1;
	s3 =	sadd.s32 s4, s19  }
0x9c: {  	s7 =	simm.s32 $0x0;
	s20 =	sshll.u32 s5, $0x1;
	s5 =	sadd.s32 s21, s3  }
0x9d: {  	[timem:s7], [sflag:s22] =	dma.local [hbm:s5], s20  }
0x9e: {  	_ =	swait.ge [sflag:s22], s20  }
0x9f: {  	s4 =	ssub.s32 $0x0, s20;
	[sflag:s22] =	ssyncset.done $0x0  }
0xa0: {  	[sflag:s22] =	ssyncadd.s32 s4;
	_ =	sdelay $0x1  }
0xa1: {  	s23 =	simm.s32 $0x1B8B  }
0xa2: {  	_ =	swait.ge [sflag:s23], $0x1  }
0xa3: {  	[sflag:s23] =	ssyncset.done $0x0  }
0xa4: {  	s25 =	simm.s32 $0x1B8E;
	s24 =	sld [smem:$0x3FFE];
	[sflag:s23] =	ssyncadd.s32 $0xFFFFFFFF  }
0xa5: {  	s26 =	simm.s32 $execute0_lowered;
	[smem:$0x3FD2] =	sst s25  }
0xa6: {  	s5 =	sshll.u32 s26, $0x1;
	_ =	strace $0x80000049;
	[dreg:$0x1] =	wrdreg $0xFFFFFFFF  }
0xa7: {  	s28 =	simm.s32 $_size_execute0_lowered;
	s3 =	sadd.s32 s3, s5;
	[dreg:$0x0] =	wrdreg $0x0  }
0xa8: {  	s5 =	sshll.u32 s28, $0x1;
	[dreg:$0x2] =	wrdreg s3  }
0xa9: {  	[dreg:$0x3] =	wrdreg s5  }
0xaa: {  	[dreg:$0x4] =	wrdreg $0xC0  }
0xab: {  	_ =	task [dreg:s7], $0x5FFFF  }
0xac: {  	[dreg:$0x1] =	wrdreg $0xFFFFFFFF  }
0xad: {  	[dreg:$0x0] =	wrdreg $0x60  }
0xae: {  	[dreg:$0x2] =	wrdreg s24  }
0xaf: {  	[dreg:$0x3] =	wrdreg s2  }
0xb0: {  	[dreg:$0x4] =	wrdreg $0x0  }
0xb1: {  	[dreg:$0x5] =	wrdreg $0x9  }
0xb2: {  	_ =	task.clear_ibuf [dreg:s7], $0x6FFFF;
	_ =	strace $0x90000049  }
0xb3: {  	s29 =	simm.s32 $0x9;
	_ =	strace $0x8000004B  }
0xb4: {  	_ =	swait.ge [sflag:s29], $0x1  }
0xb5: {  	[sflag:s29] =	ssyncadd.s32 $0xFFFFFFFF  }
0xb6: {  	_ =	strace $0x9000004B  }
0xb7: {  	_ =	sfence  }
0xb8: {  	s30 =	sld [smem:$0x0];
	_ =	sdelay $0x2  }
0xb9: {  	s31 =	sshll.u32 s1, $0xD;
	s1 =	sshrl.u32 s1, $0x2  }
0xba: {  	s3 =	sand.u32 $0x4000, s31;
	s1 =	sadd.s32 s1, s30  }
0xbb: {  	s0 =	sor.u32 s3, s0;
	s1 =	sshll.u32 s1, $0x11  }
0xbc: {  	s0 =	sor.u32 s1, s0  }
0xbd: {  	s0 =	sadd.s32 $0x8F2B, s0  }
0xbe: {  	[sflag:s0] =	ssyncadd.remote.s32 $0x1  }
0xbf: {  	_ =	sfence.sel $0xFFFF  }
0xc0: {  	[dreg:$0x0] =	wrdreg $0xFFFFFFFF;
	(pc) =	sbr.abs _section_cstart, $3  }
0xc1: {  	[dreg:$0x1] =	wrdreg $0xFFFFFFFF  }
0xc2: {  	_ =	task.clear_ibuf [dreg:s7], $0x2FFFF;
	_ =	strace $0x9FFFFFFF  }
0xc3: {  	(tm) =	ssettm $0x7FFFFFFF  }
tec
execute0_lowered:
.L_overlay_start_1:
0x0: {  	(tag) =	ssettag $0x1  }
0x1: {  	s0 =	rddreg [dreg:$0x0]  }
0x2: {  	s1 =	rddreg [dreg:$0x1]  }
0x3: {  	s2 =	rddreg [dreg:$0x2];
	s3 =	simm.s32 $0x0;
	s4 =	srdreg.scid  }
0x4: {  	s26 =	stileid.u32;
	s15 =	simm.s32 $0x14200;
	s16 =	simm.s32 $0x9  }
0x5: {  	s17 =	simm.s32 $0x14000;
	s28 =	simm.s32 $0x8;
	s29 =	simm.s32 $0x1  }
0x6: {  	s30 =	simm.s32 $0x2;
	s31 =	simm.s32 $0x3;
	s9 =	smul.u32 $0x50000, s26  }
0x7: {  	[smem:$0x7FF] =	sst s3;
	s4 =	sand.u32 $0x1, s4;
	s24 =	smul.u32 $0x2800, s26  }
0x8: {  	s6 =	sadd.s32 $0xBA00, s0;
	s7 =	sshll.u32 s26, $0x1;
	s13 =	smul.u32 $0x9C0, s26  }
0x9: {  	s8 =	sadd.s32 $0x1C00, s0;
	p0 =	sgt.u32 s26, $0x1;
	s5 =	smul.u32 $0x28000, s4  }
0xa: {  	s7 =	sor.u32 s4, s7;
	s18 =	ssub.s32 $0x2, s4;
	s4 =	smul.u32 $0x4E0, s4  }
0xb: {  	s26 =	simm.s32 $0x7;
	_ =	strace $0x8000004A;
	s10 =	smul.u32 $0x4E, s7  }
0xc: {  	s11 =	sshrl.u32 s18, $0x1;
	s7 =	smin.u32 s7, $0x4;
	s9 =	sshrl.u32 s9, $0x2  }
0xd: {  	s0 =	sadd.s32 s5, s0;
	s12 =	ssub.s32 s18, s11;
	s5 =	sadd.s32 s9, s2  }
0xe: {  	s18 =	simm.s32 $0x14080;
	s10 =	sadd.s32 s7, s10;
	s9 =	sadd.s32 $0x4000, s5  }
0xf: {  	s19 =	sadd.s32 $0x8000, s5;
	s21 =	sadd.s32 $0xC000, s5;
	[dreg:$0x4] =	wrdreg s9  }
0x10: {  	s23 =	sadd.s32 $0x10000, s5;
	s0 =	sadd.s32 $0x15800, s0;
	[dreg:$0x5] =	wrdreg s19  }
0x11: {  	s12 =	smax.u32 s12, $0x1;
	s7 =	sshll.u32 s7, $0x4;
	[dreg:$0x6] =	wrdreg s21  }
0x12: {  	s20 =	sshll.u32 s10, $0x4;
	[dreg:$0x7] =	wrdreg s23;
	s19 =	simm.s32 $0x14100  }
0x13: {  	s21 =	simm.s32 $0x5;
	s23 =	simm.s32 $0x6;
	s24 =	sadd.s32 s24, s0  }
0x14: {  	s0 =	simm.s32 $0x4;
	s22 =	sadd.s32 $0x4E0, s20;
	s20 =	simm.s32 $0x14180  }
0x15: {  	s25 =	sadd.s32 s6, s22;
	s11 =	sadd.s32 s8, s22;
	s8 =	sadd.s32 s13, s8  }
0x16: {  	s6 =	sadd.s32 s13, s6;
	s22 =	simm.s32 $0x80;
	[dreg:$0x8] =	wrdreg s25  }
0x17: {  	s8 =	sadd.s32 s4, s8;
	s4 =	sadd.s32 s4, s6;
	s25 =	simm.s32 $0x18200  }
0x18: {  	v0 =	vimm.f32 $0.0e+00;
	s13 =	sadd.s32 s7, s8;
	s14 =	sadd.s32 s7, s4;
	s4 =	simm.s32 $0x0  }
.LBB2_1:
0x19: {  	s6 =	simm.s32 $0x0;
	s7 =	simm.s32 $0x200  }
.LBB2_2:
0x1a: {  	p1 =	sne.s32 s7, $0xFE00;
	[tilespmem:s6+$0x14270] =	vst v0  }
0x1b: {  	[tilespmem:s6+$0x14200] =	vst v0  }
0x1c: {  	[tilespmem:s6+$0x14210] =	vst v0  }
.Ltmp0:
0x1d: {  	[tilespmem:s6+$0x14220] =	vst v0;
	(pc) =	sbr.rel @p1 .LBB2_2-.Ltmp0, $4  }
0x1e: {  	[tilespmem:s6+$0x14230] =	vst v0  }
0x1f: {  	[tilespmem:s6+$0x14240] =	vst v0  }
0x20: {  	[tilespmem:s6+$0x14250] =	vst v0  }
0x21: {  	[tilespmem:s6+$0x14260] =	vst v0;
	s6 =	sshra.s32 s7, $0x2;
	s7 =	sadd.s32 $0x200, s7  }
0x22: {  	[tilespmem:s6+$0x14270] =	vst v0  }
0x23: {  	[tilespmem:s6+$0x14200] =	vst v0  }
0x24: {  	[tilespmem:s6+$0x14210] =	vst v0  }
0x25: {  	[tilespmem:s6+$0x14220] =	vst v0  }
0x26: {  	[tilespmem:s6+$0x14230] =	vst v0  }
0x27: {  	[tilespmem:s6+$0x14240] =	vst v0  }
0x28: {  	[tilespmem:s6+$0x14250] =	vst v0  }
0x29: {  	[tilespmem:s6+$0x14260] =	vst v0  }
0x2a: {  	[spmem:s5] =	stream.linear.scatter [tilespmem:s15], [sflag:$0x9], $0x4000, $0x38;
	[tilespmem:$0x1C200] =	vst v63  }
0x2b: {  	_ =	swait.ge [sflag:s16], $0x4000  }
0x2c: {  	[sflag:s16] =	ssyncset.done $0x0  }
0x2d: {  	s9 =	rddreg [dreg:$0x4];
	[sflag:s16] =	ssyncadd.s32 $0xFFFFC000  }
0x2e: {  	[spmem:s9] =	stream.linear.scatter [tilespmem:s15], [sflag:$0x9], $0x4000, $0x38;
	[tilespmem:$0x1C200] =	vst v63  }
0x2f: {  	_ =	swait.ge [sflag:s16], $0x4000  }
0x30: {  	[sflag:s16] =	ssyncset.done $0x0  }
0x31: {  	s10 =	rddreg [dreg:$0x5];
	[sflag:s16] =	ssyncadd.s32 $0xFFFFC000  }
0x32: {  	[spmem:s10] =	stream.linear.scatter [tilespmem:s15], [sflag:$0x9], $0x4000, $0x38;
	[tilespmem:$0x1C200] =	vst v63  }
0x33: {  	_ =	swait.ge [sflag:s16], $0x4000  }
0x34: {  	[sflag:s16] =	ssyncset.done $0x0  }
0x35: {  	s7 =	rddreg [dreg:$0x6];
	[sflag:s16] =	ssyncadd.s32 $0xFFFFC000  }
0x36: {  	[spmem:s7] =	stream.linear.scatter [tilespmem:s15], [sflag:$0x9], $0x4000, $0x38;
	[tilespmem:$0x1C200] =	vst v63  }
0x37: {  	_ =	swait.ge [sflag:s16], $0x4000  }
0x38: {  	[sflag:s16] =	ssyncset.done $0x0  }
0x39: {  	s8 =	rddreg [dreg:$0x7];
	[sflag:s16] =	ssyncadd.s32 $0xFFFFC000  }
0x3a: {  	[spmem:s8] =	stream.linear.scatter [tilespmem:s15], [sflag:$0x9], $0x4000, $0x38;
	[tilespmem:$0x1C200] =	vst v63  }
0x3b: {  	_ =	swait.ge [sflag:s16], $0x4000  }
0x3c: {  	[sflag:s16] =	ssyncset.done $0x0  }
0x3d: {  	[sflag:s16] =	ssyncadd.s32 $0xFFFFC000  }
0x3e: {  	s9 =	sadd.s32 $0x0, s14;
	[bflag:$0x0] =	sbarrier.arrive $0xFFFF  }
0x3f: {  	[tilespmem:s17], [sflag:$0x5] =	stream.linear.gather [hbm4b:s9+s3], $0x80, $0x38;
	[tilespmem:$0x1C200] =	vst v63  }
0x40: {  	s6 =	sadd.s32 $0x10, s9  }
0x41: {  	[tilespmem:s18], [sflag:$0x6] =	stream.linear.gather [hbm4b:s6+s3], $0x80, $0x38;
	[tilespmem:$0x1C200] =	vst v63  }
0x42: {  	s10 =	sadd.s32 $0x0, s13  }
0x43: {  	[tilespmem:s19], [sflag:$0x7] =	stream.linear.gather [hbm4b:s10+s3], $0x80, $0x38;
	[tilespmem:$0x1C200] =	vst v63  }
0x44: {  	s6 =	sadd.s32 $0x10, s10  }
0x45: {  	[tilespmem:s20], [sflag:$0x8] =	stream.linear.gather [hbm4b:s6+s3], $0x80, $0x38;
	[tilespmem:$0x1C200] =	vst v63  }
0x46: {  	_ =	swait.ge [sflag:s21], $0x80  }
0x47: {  	[sflag:s21] =	ssyncset.done $0x0  }
0x48: {  	[sflag:s21] =	ssyncadd.s32 $0xFFFFFF80  }
0x49: {  	[tilespmem:s15], [sflag:$0x1] =	stream.indirect.gather [hbm4b:s1+s22], $0x80, s17, s22, $0xb8;
	[tilespmem:$0x1C200] =	vst v63  }
0x4a: {  	_ =	swait.ge [sflag:s23], $0x80  }
0x4b: {  	[sflag:s23] =	ssyncset.done $0x0  }
0x4c: {  	[sflag:s23] =	ssyncadd.s32 $0xFFFFFF80  }
0x4d: {  	[tilespmem:s25], [sflag:$0x2] =	stream.indirect.gather [hbm4b:s1+s22], $0x80, s18, s22, $0xb8;
	[tilespmem:$0x1C200] =	vst v63  }
0x4e: {  	_ =	swait.ge [sflag:s26], $0x80  }
0x4f: {  	[sflag:s26] =	ssyncset.done $0x0  }
0x50: {  	[sflag:s26] =	ssyncadd.s32 $0xFFFFFF80  }
0x51: {  	_ =	swait.ge [sflag:s28], $0x80  }
0x52: {  	[sflag:s28] =	ssyncset.done $0x0  }
0x53: {  	[sflag:s28] =	ssyncadd.s32 $0xFFFFFF80  }
0x54: {  	_ =	swait.ge [sflag:s29], $0x4000  }
0x55: {  	[sflag:s29] =	ssyncset.done $0x0  }
0x56: {  	[sflag:s29] =	ssyncadd.s32 $0xFFFFC000  }
0x57: {  	[spmem:s2] =	stream.indirect.scatter.add.f32 [tilespmem:s15], [sflag:$0x3], $0x80, s19, s22, $0xb8;
	[tilespmem:$0x1C200] =	vst v63  }
0x58: {  	_ =	swait.ge [sflag:s30], $0x4000  }
0x59: {  	[sflag:s30] =	ssyncset.done $0x0  }
0x5a: {  	[sflag:s30] =	ssyncadd.s32 $0xFFFFC000  }
0x5b: {  	[spmem:s2] =	stream.indirect.scatter.add.f32 [tilespmem:s25], [sflag:$0x4], $0x80, s20, s22, $0xb8;
	[tilespmem:$0x1C200] =	vst v63  }
0x5c: {  	_ =	swait.ge [sflag:s31], $0x4000  }
0x5d: {  	[sflag:s31] =	ssyncset.done $0x0  }
0x5e: {  	[sflag:s31] =	ssyncadd.s32 $0xFFFFC000  }
0x5f: {  	_ =	swait.ge [sflag:s0], $0x4000  }
0x60: {  	s7 =	simm.s32 $0x40;
	s6 =	simm.s32 $0x20;
	[sflag:s0] =	ssyncset.done $0x0  }
.LBB2_4:
0x61: {  	s9 =	sadd.s32 s6, s14  }
0x62: {  	[sflag:s0] =	ssyncadd.s32 $0xFFFFC000;
	s10 =	smov.u32 s7;
	s8 =	sadd.s32 $0x20, s7  }
0x63: {  	[tilespmem:s17], [sflag:$0x5] =	stream.linear.gather [hbm4b:s9+s3], $0x80, $0x38;
	[tilespmem:$0x1C200] =	vst v63  }
0x64: {  	p1 =	sne.s32 s7, $0x4C0;
	s7 =	sadd.s32 $0x10, s9  }
0x65: {  	[tilespmem:s18], [sflag:$0x6] =	stream.linear.gather [hbm4b:s7+s3], $0x80, $0x38;
	[tilespmem:$0x1C200] =	vst v63  }
0x66: {  	s7 =	sadd.s32 s6, s13;
	s6 =	smov.u32 s10  }
0x67: {  	[tilespmem:s19], [sflag:$0x7] =	stream.linear.gather [hbm4b:s7+s3], $0x80, $0x38;
	[tilespmem:$0x1C200] =	vst v63  }
0x68: {  	s7 =	sadd.s32 $0x10, s7  }
0x69: {  	[tilespmem:s20], [sflag:$0x8] =	stream.linear.gather [hbm4b:s7+s3], $0x80, $0x38;
	[tilespmem:$0x1C200] =	vst v63  }
0x6a: {  	_ =	swait.ge [sflag:s21], $0x80  }
0x6b: {  	[sflag:s21] =	ssyncset.done $0x0  }
0x6c: {  	[sflag:s21] =	ssyncadd.s32 $0xFFFFFF80  }
0x6d: {  	[tilespmem:s15], [sflag:$0x1] =	stream.indirect.gather [hbm4b:s1+s22], $0x80, s17, s22, $0xb8;
	[tilespmem:$0x1C200] =	vst v63  }
0x6e: {  	_ =	swait.ge [sflag:s23], $0x80  }
0x6f: {  	[sflag:s23] =	ssyncset.done $0x0  }
0x70: {  	[sflag:s23] =	ssyncadd.s32 $0xFFFFFF80  }
0x71: {  	[tilespmem:s25], [sflag:$0x2] =	stream.indirect.gather [hbm4b:s1+s22], $0x80, s18, s22, $0xb8;
	[tilespmem:$0x1C200] =	vst v63  }
0x72: {  	_ =	swait.ge [sflag:s26], $0x80  }
0x73: {  	[sflag:s26] =	ssyncset.done $0x0  }
0x74: {  	[sflag:s26] =	ssyncadd.s32 $0xFFFFFF80  }
0x75: {  	_ =	swait.ge [sflag:s28], $0x80  }
0x76: {  	[sflag:s28] =	ssyncset.done $0x0  }
0x77: {  	[sflag:s28] =	ssyncadd.s32 $0xFFFFFF80  }
0x78: {  	_ =	swait.ge [sflag:s29], $0x4000  }
0x79: {  	[sflag:s29] =	ssyncset.done $0x0  }
0x7a: {  	[sflag:s29] =	ssyncadd.s32 $0xFFFFC000  }
0x7b: {  	[spmem:s2] =	stream.indirect.scatter.add.f32 [tilespmem:s15], [sflag:$0x3], $0x80, s19, s22, $0xb8;
	[tilespmem:$0x1C200] =	vst v63  }
0x7c: {  	_ =	swait.ge [sflag:s30], $0x4000  }
0x7d: {  	[sflag:s30] =	ssyncset.done $0x0  }
0x7e: {  	[sflag:s30] =	ssyncadd.s32 $0xFFFFC000  }
0x7f: {  	[spmem:s2] =	stream.indirect.scatter.add.f32 [tilespmem:s25], [sflag:$0x4], $0x80, s20, s22, $0xb8;
	[tilespmem:$0x1C200] =	vst v63  }
.Ltmp1:
0x80: {  	_ =	swait.ge [sflag:s31], $0x4000;
	(pc) =	sbr.rel @p1 .LBB2_4-.Ltmp1, $4  }
0x81: {  	[sflag:s31] =	ssyncset.done $0x0  }
0x82: {  	[sflag:s31] =	ssyncadd.s32 $0xFFFFC000  }
0x83: {  	_ =	swait.ge [sflag:s0], $0x4000  }
0x84: {  	s7 =	smov.u32 s8;
	[sflag:s0] =	ssyncset.done $0x0  }
0x85: {  	s7 =	sadd.s32 s6, s14;
	[sflag:s0] =	ssyncadd.s32 $0xFFFFC000  }
0x86: {  	[tilespmem:s17], [sflag:$0x5] =	stream.linear.gather [hbm4b:s7+s3], $0x80, $0x38;
	[tilespmem:$0x1C200] =	vst v63  }
0x87: {  	s7 =	sadd.s32 $0x10, s7  }
0x88: {  	[tilespmem:s18], [sflag:$0x6] =	stream.linear.gather [hbm4b:s7+s3], $0x80, $0x38;
	[tilespmem:$0x1C200] =	vst v63  }
0x89: {  	s8 =	sadd.s32 s6, s13  }
0x8a: {  	[tilespmem:s19], [sflag:$0x7] =	stream.linear.gather [hbm4b:s8+s3], $0x80, $0x38;
	[tilespmem:$0x1C200] =	vst v63  }
0x8b: {  	s6 =	sadd.s32 $0x10, s8  }
0x8c: {  	[tilespmem:s20], [sflag:$0x8] =	stream.linear.gather [hbm4b:s6+s3], $0x80, $0x38;
	[tilespmem:$0x1C200] =	vst v63  }
0x8d: {  	_ =	swait.ge [sflag:s21], $0x80  }
0x8e: {  	[sflag:s21] =	ssyncset.done $0x0  }
0x8f: {  	[sflag:s21] =	ssyncadd.s32 $0xFFFFFF80  }
0x90: {  	[tilespmem:s15], [sflag:$0x1] =	stream.indirect.gather [hbm4b:s1+s22], $0x80, s17, s22, $0xb8;
	[tilespmem:$0x1C200] =	vst v63  }
0x91: {  	_ =	swait.ge [sflag:s23], $0x80  }
0x92: {  	[sflag:s23] =	ssyncset.done $0x0  }
0x93: {  	[sflag:s23] =	ssyncadd.s32 $0xFFFFFF80  }
0x94: {  	[tilespmem:s25], [sflag:$0x2] =	stream.indirect.gather [hbm4b:s1+s22], $0x80, s18, s22, $0xb8;
	[tilespmem:$0x1C200] =	vst v63  }
0x95: {  	_ =	swait.ge [sflag:s26], $0x80  }
0x96: {  	[sflag:s26] =	ssyncset.done $0x0  }
0x97: {  	[sflag:s26] =	ssyncadd.s32 $0xFFFFFF80  }
0x98: {  	_ =	swait.ge [sflag:s28], $0x80  }
0x99: {  	[sflag:s28] =	ssyncset.done $0x0  }
0x9a: {  	[sflag:s28] =	ssyncadd.s32 $0xFFFFFF80  }
0x9b: {  	_ =	swait.ge [sflag:s29], $0x4000  }
0x9c: {  	[sflag:s29] =	ssyncset.done $0x0  }
0x9d: {  	[sflag:s29] =	ssyncadd.s32 $0xFFFFC000  }
0x9e: {  	[spmem:s2] =	stream.indirect.scatter.add.f32 [tilespmem:s15], [sflag:$0x3], $0x80, s19, s22, $0xb8;
	[tilespmem:$0x1C200] =	vst v63  }
0x9f: {  	_ =	swait.ge [sflag:s30], $0x4000  }
0xa0: {  	[sflag:s30] =	ssyncset.done $0x0  }
0xa1: {  	[sflag:s30] =	ssyncadd.s32 $0xFFFFC000  }
0xa2: {  	[spmem:s2] =	stream.indirect.scatter.add.f32 [tilespmem:s25], [sflag:$0x4], $0x80, s20, s22, $0xb8;
	[tilespmem:$0x1C200] =	vst v63  }
0xa3: {  	_ =	swait.ge [sflag:s31], $0x4000  }
0xa4: {  	[sflag:s31] =	ssyncset.done $0x0  }
0xa5: {  	[sflag:s31] =	ssyncadd.s32 $0xFFFFC000  }
0xa6: {  	_ =	swait.ge [sflag:s0], $0x4000  }
0xa7: {  	s7 =	simm.s32 @!p0 $0x14000;
	[sflag:s0] =	ssyncset.done $0x0  }
0xa8: {  	s6 =	simm.s32 @!p0 $0x0;
	s8 =	rddreg [dreg:$0x8];
	[sflag:s0] =	ssyncadd.s32 $0xFFFFC000  }
0xa9: {  	[tilespmem:s7], [sflag:$0x9] =	stream.linear.gather @!p0 [hbm4b:s8+s6], $0x80, $0x38;
	[tilespmem:$0x1C200] =	vst v63  }
0xaa: {  	s8 =	simm.s32 @!p0 $0x9  }
0xab: {  	_ =	swait.ge @!p0 [sflag:s8], $0x80  }
0xac: {  	[sflag:s8] =	ssyncset.done @!p0 $0x0  }
0xad: {  	s9 =	simm.s32 @!p0 $0x14100;
	[sflag:s8] =	ssyncadd.s32 @!p0 $0xFFFFFF80  }
0xae: {  	[tilespmem:s9], [sflag:$0x9] =	stream.linear.gather @!p0 [hbm4b:s11+s6], $0x80, $0x38;
	[tilespmem:$0x1C200] =	vst v63  }
0xaf: {  	_ =	swait.ge @!p0 [sflag:s8], $0x80  }
0xb0: {  	[sflag:s8] =	ssyncset.done @!p0 $0x0  }
0xb1: {  	s10 =	simm.s32 @!p0 $0x14200;
	s6 =	simm.s32 @!p0 $0x80;
	[sflag:s8] =	ssyncadd.s32 @!p0 $0xFFFFFF80  }
0xb2: {  	[tilespmem:s10], [sflag:$0x1] =	stream.indirect.gather @!p0 [hbm4b:s1+s6], $0x80, s7, s6, $0xb8;
	[tilespmem:$0x1C200] =	vst v63  }
0xb3: {  	s7 =	simm.s32 @!p0 $0x1  }
0xb4: {  	_ =	swait.ge @!p0 [sflag:s7], $0x4000  }
0xb5: {  	[sflag:s7] =	ssyncset.done @!p0 $0x0  }
0xb6: {  	[sflag:s7] =	ssyncadd.s32 @!p0 $0xFFFFC000  }
0xb7: {  	[spmem:s2] =	stream.indirect.scatter.add.f32 @!p0 [tilespmem:s10], [sflag:$0x9], $0x80, s9, s6, $0xb8;
	[tilespmem:$0x1C200] =	vst v63  }
0xb8: {  	s4 =	sadd.s32 $0x1, s4;
	_ =	swait.ge @!p0 [sflag:s8], $0x4000  }
0xb9: {  	p1 =	sne.s32 s4, s12;
	s9 =	stileid.u32;
	[sflag:s8] =	ssyncset.done @!p0 $0x0  }
0xba: {  	s10 =	sshrl.u32 s5, $0x3;
	s6 =	sshll.u32 s9, $0x6;
	[sflag:s8] =	ssyncadd.s32 @!p0 $0xFFFFC000  }
.Ltmp2:
0xbb: {  	s6 =	sor.u32 $0x1C09, s6;
	[bflag:$0x0] =	sbarrier.arrive $0xFFFF;
	(pc) =	sbr.rel @p1 .LBB2_1-.Ltmp2, $4  }
0xbc: {  	[hbm:s24], [sflag:s6] =	dma.local [spmem:s10], $0x2800  }
0xbd: {  	_ =	swait.ge [sflag:s16], $0x2800  }
0xbe: {  	[sflag:s16] =	ssyncset.done $0x0  }
0xbf: {  	[sflag:s16] =	ssyncadd.s32 $0xFFFFD800  }
0xc0: {  	_ =	sfence.sel $0x180000  }
0xc1: {  	[bflag:$0x0] =	sbarrier.arrive $0xFFFF  }
0xc2: {  	_ =	strace $0x9000004A  }
0xc3: {  	s0 =	stileid.u32;
	[bflag:$0x2] =	sbarrier.arrive $0xFFFF  }
0xc4: {  	p0 =	sne.s32 s0, $0x0;
	s0 =	rddreg [dreg:$0x3]  }
0xc5: {  	s0 =	sadd.s32 @!p0 $0x100000, s0  }
0xc6: {  	[sflag:s0] =	ssyncadd.tile.s32 @!p0 $0x1;
	_ =	shalt  }
.Lfunc_end2:
_tile_overlayer_lowered:
.L_overlay_start_2:
0xc7: {  	(tag) =	ssettag $0x2  }
0xc8: {  	s0 =	rddreg [dreg:$0x0];
	s2 =	stileid.u32  }
0xc9: {  	s1 =	rddreg [dreg:$0x1];
	p0 =	sne.s32 s2, $0x0  }
0xca: {  	s3 =	rddreg [dreg:$0x2];
	[bflag:$0x3] =	sbarrier.arrive $0xFFFF;
	s2 =	simm.s32 @!p0 $0x1C09  }
0xcb: {  	[timem:s3], [sflag:s2] =	dma.local @!p0 [hbm:s0], s1  }
0xcc: {  	s0 =	simm.s32 @!p0 $0x9  }
0xcd: {  	_ =	swait.ge @!p0 [sflag:s0], s1  }
0xce: {  	s1 =	ssub.s32 @!p0 $0x0, s1;
	[sflag:s0] =	ssyncset.done @!p0 $0x0  }
0xcf: {  	[sflag:s0] =	ssyncadd.s32 @!p0 s1  }
0xd0: {  	[bflag:$0x3] =	sbarrier.arrive $0xFFFF  }
0xd1: {  	_ =	shalt  }

</sc_bundles>
